<compile_context>
chip_gen: v7x
topology: tpu7x:2x2x1
jax: 0.10.2.dev20260603
libtpu: 0.0.44.dev20260713+nightly
codegen_flags: <defaults>
</compile_context>

<pallas_src>
import jax
import jax.numpy as jnp
from jax import lax
from jax.experimental import pallas as pl
from jax.experimental.pallas import tpu as pltpu
from jax.experimental.pallas import tpu_sc as plsc

N = 10000
E = 160000
D = 256
H = 256
DE = 16

NC = 2
NS = 16
NW = NC * NS

_HW = H // 2
_GCH = 104


_PRE_TILE = 2000


def _pack_halves(x):
    xb = x.astype(jnp.bfloat16)
    lo = lax.bitcast_convert_type(xb[:, :_HW], jnp.uint16).astype(jnp.uint32)
    hi = lax.bitcast_convert_type(xb[:, _HW:], jnp.uint16).astype(jnp.uint32)
    return lax.bitcast_convert_type((hi << 16) | lo, jnp.int32)


def _pre_body(h_ref, ws_ref, wt_ref, a_ref, b_ref):
    hb = h_ref[...]
    a_ref[...] = _pack_halves(
        jnp.dot(hb, ws_ref[...], preferred_element_type=jnp.float32))
    b_ref[...] = _pack_halves(
        jnp.dot(hb, wt_ref[...], preferred_element_type=jnp.float32))


def _pre_pass(h, ws, wt):
    grid = (N // _PRE_TILE,)
    return pl.pallas_call(
        _pre_body,
        grid=grid,
        in_specs=[
            pl.BlockSpec((_PRE_TILE, D), lambda i: (i, 0)),
            pl.BlockSpec((D, H), lambda i: (0, 0)),
            pl.BlockSpec((D, H), lambda i: (0, 0)),
        ],
        out_specs=[
            pl.BlockSpec((_PRE_TILE, _HW), lambda i: (i, 0)),
            pl.BlockSpec((_PRE_TILE, _HW), lambda i: (i, 0)),
        ],
        out_shape=[
            jax.ShapeDtypeStruct((N, _HW), jnp.int32),
            jax.ShapeDtypeStruct((N, _HW), jnp.int32),
        ],
    )(h, ws, wt)




def _make_gather(ec):
    epw = ec // NW
    gfull = epw // _GCH
    assert gfull % 4 == 0
    nq = gfull // 4
    gtail = epw - gfull * _GCH

    def body(a_hbm, b_hbm, row_hbm, col_hbm, g1_hbm, g2_hbm,
             idx_r, idx_c,
             ba0, bb0, ba1, bb1, ba2, bb2, ba3, bb3,
             buf_at, buf_bt,
             sem_i, sa0, sb0, sa1, sb1, sa2, sb2, sa3, sb3,
             sw0, sw1, sw2, sw3):
        c = lax.axis_index("c")
        s = lax.axis_index("s")
        wid = c * NS + s
        base = wid * epw
        bufs_a = [ba0, ba1, ba2, ba3]
        bufs_b = [bb0, bb1, bb2, bb3]
        sems_a = [sa0, sa1, sa2, sa3]
        sems_b = [sb0, sb1, sb2, sb3]
        sems_w = [sw0, sw1, sw2, sw3]

        ci_r = pltpu.async_copy(row_hbm.at[pl.ds(base, epw)], idx_r, sem_i)
        ci_c = pltpu.async_copy(col_hbm.at[pl.ds(base, epw)], idx_c, sem_i)
        ci_r.wait()
        ci_c.wait()

        def gath(ch, k):
            ko = pl.multiple_of(ch * _GCH, 8)
            pltpu.async_copy(a_hbm.at[idx_r.at[pl.ds(ko, _GCH)]],
                             bufs_a[k], sems_a[k])
            pltpu.async_copy(b_hbm.at[idx_c.at[pl.ds(ko, _GCH)]],
                             bufs_b[k], sems_b[k])

        def wait_gath(ch, k):
            ko = pl.multiple_of(ch * _GCH, 8)
            pltpu.make_async_copy(a_hbm.at[idx_r.at[pl.ds(ko, _GCH)]],
                                  bufs_a[k], sems_a[k]).wait()
            pltpu.make_async_copy(b_hbm.at[idx_c.at[pl.ds(ko, _GCH)]],
                                  bufs_b[k], sems_b[k]).wait()

        def put(ch, k):
            off = base + ch * _GCH
            pltpu.async_copy(bufs_a[k], g1_hbm.at[pl.ds(off, _GCH)],
                             sems_w[k])
            pltpu.async_copy(bufs_b[k], g2_hbm.at[pl.ds(off, _GCH)],
                             sems_w[k])

        def wait_put(ch, k):
            off = base + ch * _GCH
            pltpu.make_async_copy(bufs_a[k], g1_hbm.at[pl.ds(off, _GCH)],
                                  sems_w[k]).wait()
            pltpu.make_async_copy(bufs_b[k], g2_hbm.at[pl.ds(off, _GCH)],
                                  sems_w[k]).wait()

        for k in range(4):
            gath(k, k)

        def quad(t, _):
            for k in range(4):
                wait_gath(4 * t + k, k)
                put(4 * t + k, k)
            for k in range(4):
                @pl.when(t < nq - 1)
                def _refill(k=k):
                    wait_put(4 * t + k, k)
                    gath(4 * (t + 1) + k, k)
            return 0

        lax.fori_loop(0, nq, quad, 0, unroll=False)

        for k in range(4):
            wait_put(4 * (nq - 1) + k, k)

        if gtail:
            off = base + gfull * _GCH
            kt = gfull * _GCH
            cp_a = pltpu.async_copy(a_hbm.at[idx_r.at[pl.ds(kt, gtail)]],
                                    buf_at, sa0)
            cp_b = pltpu.async_copy(b_hbm.at[idx_c.at[pl.ds(kt, gtail)]],
                                    buf_bt, sb0)
            cp_a.wait()
            cp_b.wait()
            pltpu.sync_copy(buf_at, g1_hbm.at[pl.ds(off, gtail)])
            pltpu.sync_copy(buf_bt, g2_hbm.at[pl.ds(off, gtail)])

    tl = max(gtail, 8)
    mesh = plsc.VectorSubcoreMesh(core_axis_name="c", subcore_axis_name="s")
    return pl.kernel(
        body,
        out_type=[
            jax.ShapeDtypeStruct((ec, _HW), jnp.int32),
            jax.ShapeDtypeStruct((ec, _HW), jnp.int32),
        ],
        mesh=mesh,
        scratch_types=(
            [pltpu.VMEM((epw,), jnp.int32)] * 2
            + [pltpu.VMEM((_GCH, _HW), jnp.int32)] * 8
            + [pltpu.VMEM((tl, _HW), jnp.int32)] * 2
            + [pltpu.SemaphoreType.DMA] * 13
        ),
    )




def _unpack_halves(g32):
    gu = lax.bitcast_convert_type(g32, jnp.uint32)
    lo = lax.bitcast_convert_type((gu & 0xFFFF).astype(jnp.uint16),
                                  jnp.bfloat16).astype(jnp.float32)
    hi = lax.bitcast_convert_type((gu >> 16).astype(jnp.uint16),
                                  jnp.bfloat16).astype(jnp.float32)
    return lo, hi


def _edge_body(g1_ref, g2_ref, ea_ref, wea_ref, be1_ref, we2_ref, be2_ref,
               out_ref):
    g1_lo, g1_hi = _unpack_halves(g1_ref[...])
    g2_lo, g2_hi = _unpack_halves(g2_ref[...])
    ea = ea_ref[...]
    eam = jnp.dot(ea, wea_ref[...], preferred_element_type=jnp.float32)
    pre_lo = g1_lo + g2_lo + eam[:, :_HW] + be1_ref[:, :_HW]
    pre_hi = g1_hi + g2_hi + eam[:, _HW:] + be1_ref[:, _HW:]
    m_lo = pre_lo * jax.nn.sigmoid(pre_lo)
    m_hi = pre_hi * jax.nn.sigmoid(pre_hi)
    pre2 = (jnp.dot(m_lo.astype(jnp.bfloat16), we2_ref[:_HW],
                    preferred_element_type=jnp.float32)
            + jnp.dot(m_hi.astype(jnp.bfloat16), we2_ref[_HW:],
                      preferred_element_type=jnp.float32)
            + be2_ref[...])
    out_ref[...] = pre2 * jax.nn.sigmoid(pre2)


def _edge_mlp(g1, g2, ea, wea, be1, we2, be2):
    ec = g1.shape[0]
    tile = ec // 32
    return pl.pallas_call(
        _edge_body,
        grid=(32,),
        in_specs=[
            pl.BlockSpec((tile, _HW), lambda i: (i, 0)),
            pl.BlockSpec((tile, _HW), lambda i: (i, 0)),
            pl.BlockSpec((tile, DE), lambda i: (i, 0)),
            pl.BlockSpec((DE, H), lambda i: (0, 0)),
            pl.BlockSpec((1, H), lambda i: (0, 0)),
            pl.BlockSpec((H, H), lambda i: (0, 0)),
            pl.BlockSpec((1, H), lambda i: (0, 0)),
        ],
        out_specs=pl.BlockSpec((tile, H), lambda i: (i, 0)),
        out_shape=jax.ShapeDtypeStruct((ec, H), jnp.float32),
    )(g1, g2, ea, wea, be1, we2, be2)



_SCH = 104
_HH = H // NC
_RPS = 624
_RTAIL = N - NS * _RPS
_ZROWS = 104


def _make_scatter(ec):
    eps = ec // NS
    sfull = eps // _SCH
    spair = sfull // 2
    stail = eps - sfull * _SCH

    def body(mij_hbm, row_hbm, agg_hbm,
             idx_s, buf_s0, buf_s1, idx_t, buf_t, zbuf, acc,
             sem_l0, sem_l1, sem_c0, sem_c1):
        c = lax.axis_index("c")
        s = lax.axis_index("s")

        def zrow(i, _):
            for j in range(_HH // 16):
                zbuf[i, pl.ds(j * 16, 16)] = jnp.zeros((16,), jnp.float32)
            return 0

        lax.fori_loop(0, _ZROWS, zrow, 0, unroll=False)
        for k in range(_RPS // _ZROWS):
            pltpu.sync_copy(zbuf, acc.at[pl.ds(s * _RPS + k * _ZROWS,
                                               _ZROWS)])

        @pl.when(s == NS - 1)
        def _zero_tail():
            pltpu.sync_copy(zbuf.at[pl.ds(0, _RTAIL)],
                            acc.at[pl.ds(NS * _RPS, _RTAIL)])

        plsc.subcore_barrier()

        base = s * eps
        col0 = c * _HH

        def load(k, slot_idx, slot_buf, sem):
            off = base + k * _SCH
            pltpu.async_copy(row_hbm.at[pl.ds(off, _SCH)], slot_idx, sem)
            pltpu.async_copy(mij_hbm.at[pl.ds(off, _SCH), pl.ds(col0, _HH)],
                             slot_buf, sem)

        def drain(k, slot_idx, slot_buf, sem):
            off = base + k * _SCH
            pltpu.make_async_copy(row_hbm.at[pl.ds(off, _SCH)], slot_idx,
                                  sem).wait()
            pltpu.make_async_copy(
                mij_hbm.at[pl.ds(off, _SCH), pl.ds(col0, _HH)], slot_buf,
                sem).wait()

        load(0, idx_s.at[0], buf_s0, sem_l0)
        load(1, idx_s.at[1], buf_s1, sem_l1)

        def pair(t, _):
            drain(2 * t, idx_s.at[0], buf_s0, sem_l0)
            pltpu.async_copy(buf_s0, acc.at[idx_s.at[0]], sem_c0, add=True)

            drain(2 * t + 1, idx_s.at[1], buf_s1, sem_l1)
            pltpu.async_copy(buf_s1, acc.at[idx_s.at[1]], sem_c1, add=True)

            @pl.when(t < spair - 1)
            def _next0():
                pltpu.make_async_copy(buf_s0, acc.at[idx_s.at[0]],
                                      sem_c0).wait()
                load(2 * t + 2, idx_s.at[0], buf_s0, sem_l0)

            @pl.when(t < spair - 1)
            def _next1():
                pltpu.make_async_copy(buf_s1, acc.at[idx_s.at[1]],
                                      sem_c1).wait()
                load(2 * t + 3, idx_s.at[1], buf_s1, sem_l1)

            return 0

        lax.fori_loop(0, spair, pair, 0, unroll=False)
        pltpu.make_async_copy(buf_s0, acc.at[idx_s.at[0]], sem_c0).wait()
        pltpu.make_async_copy(buf_s1, acc.at[idx_s.at[1]], sem_c1).wait()

        if stail:
            off = base + sfull * _SCH
            pltpu.sync_copy(row_hbm.at[pl.ds(off, stail)], idx_t)
            pltpu.sync_copy(mij_hbm.at[pl.ds(off, stail), pl.ds(col0, _HH)],
                            buf_t)
            pltpu.sync_copy(buf_t, acc.at[idx_t], add=True)

        plsc.subcore_barrier()

        r0 = s * _RPS
        pltpu.sync_copy(acc.at[pl.ds(r0, _RPS)],
                        agg_hbm.at[c, pl.ds(r0, _RPS)])

        @pl.when(s == NS - 1)
        def _write_tail():
            pltpu.sync_copy(acc.at[pl.ds(NS * _RPS, _RTAIL)],
                            agg_hbm.at[c, pl.ds(NS * _RPS, _RTAIL)])

    tl = max(stail, 8)
    mesh = plsc.VectorSubcoreMesh(core_axis_name="c", subcore_axis_name="s")
    return pl.kernel(
        body,
        out_type=jax.ShapeDtypeStruct((NC, N, _HH), jnp.float32),
        mesh=mesh,
        scratch_types=[
            pltpu.VMEM((2, _SCH), jnp.int32),
            pltpu.VMEM((_SCH, _HH), jnp.float32),
            pltpu.VMEM((_SCH, _HH), jnp.float32),
            pltpu.VMEM((tl,), jnp.int32),
            pltpu.VMEM((tl, _HH), jnp.float32),
            pltpu.VMEM((_ZROWS, _HH), jnp.float32),
            pltpu.VMEM_SHARED((N, _HH), jnp.float32),
            pltpu.SemaphoreType.DMA,
            pltpu.SemaphoreType.DMA,
            pltpu.SemaphoreType.DMA,
            pltpu.SemaphoreType.DMA,
        ],
    )



_NODE_TILE = 2000


def _node_body(h_ref, aa0_ref, aa1_ref,
               wa_ref, w0_ref, w1_ref, bn1_ref, wn2_ref, bn2_ref, out_ref):
    hb = h_ref[...]
    a0 = aa0_ref[0]
    a1 = aa1_ref[0]
    pre = (jnp.dot(hb, wa_ref[...], preferred_element_type=jnp.float32)
           + jnp.dot(a0, w0_ref[...], preferred_element_type=jnp.float32)
           + jnp.dot(a1, w1_ref[...], preferred_element_type=jnp.float32)
           + bn1_ref[...])
    y = pre * jax.nn.sigmoid(pre)
    out_ref[...] = hb + jnp.dot(y, wn2_ref[...],
                                preferred_element_type=jnp.float32) \
        + bn2_ref[...]


def _node_mlp(h, agg, wa, w0, w1, bn1, wn2, bn2):
    grid = (N // _NODE_TILE,)
    return pl.pallas_call(
        _node_body,
        grid=grid,
        in_specs=[
            pl.BlockSpec((_NODE_TILE, D), lambda i: (i, 0)),
            pl.BlockSpec((1, _NODE_TILE, _HH), lambda i: (0, i, 0)),
            pl.BlockSpec((1, _NODE_TILE, _HH), lambda i: (1, i, 0)),
            pl.BlockSpec((D, H), lambda i: (0, 0)),
            pl.BlockSpec((_HH, H), lambda i: (0, 0)),
            pl.BlockSpec((_HH, H), lambda i: (0, 0)),
            pl.BlockSpec((1, H), lambda i: (0, 0)),
            pl.BlockSpec((H, D), lambda i: (0, 0)),
            pl.BlockSpec((1, D), lambda i: (0, 0)),
        ],
        out_specs=pl.BlockSpec((_NODE_TILE, D), lambda i: (i, 0)),
        out_shape=jax.ShapeDtypeStruct((N, D), jnp.float32),
    )(h, agg, agg, wa, w0, w1, bn1, wn2, bn2)




def kernel(h, edge_index, edge_attr, We1, be1, We2, be2, Wn1, bn1, Wn2, bn2):
    row = edge_index[0]
    col = edge_index[1]
    ws = We1[:D]
    wt = We1[D:2 * D]
    wea = We1[2 * D:]
    we2b = We2.astype(jnp.bfloat16)
    be1r = be1.reshape(1, H)
    be2r = be2.reshape(1, H)

    a32, b32 = _pre_pass(h, ws, wt)

    g1, g2 = _make_gather(E)(a32, b32, row, col)
    mij = _edge_mlp(g1, g2, edge_attr, wea, be1r, we2b, be2r)
    agg = _make_scatter(E)(mij, row)

    h_out = _node_mlp(h, agg, Wn1[:D], Wn1[D:D + _HH],
                      Wn1[D + _HW:], bn1.reshape(1, H), Wn2,
                      bn2.reshape(1, D))
    return (h_out, mij)

# --- scband reference (transcript-rebuilt; emitter-appended) ---
"""Pipeline reference for scband-gcl-72060961292771 (READ-ONLY COPY).

The authoritative reference and input builder live on the scoring server;
editing this copy changes nothing except your own understanding.
"""

import jax, jax.numpy as jnp
import numpy as np

N = 10000
E = 160000
D = 256
H = 256
DE = 16
NORM = 1.0


def _lecun(k, shape):
    fan_in = shape[0]
    return jax.random.normal(k, shape, dtype=jnp.float32) * (1.0 / np.sqrt(fan_in))


def setup_inputs(seed: int = 0) -> dict:
    key = jax.random.key(seed)
    ks = jax.random.split(key, 8)
    h = jax.random.normal(ks[0], (N, D), dtype=jnp.float32)
    edge_index = jax.random.randint(ks[1], (2, E), 0, N, dtype=jnp.int32)
    edge_attr = jax.random.normal(ks[2], (E, DE), dtype=jnp.float32)
    We1 = _lecun(ks[3], (2 * D + DE, H)); be1 = jnp.zeros((H,), dtype=jnp.float32)
    We2 = _lecun(ks[4], (H, H)); be2 = jnp.zeros((H,), dtype=jnp.float32)
    Wn1 = _lecun(ks[5], (D + H, H)); bn1 = jnp.zeros((H,), dtype=jnp.float32)
    Wn2 = _lecun(ks[6], (H, D)); bn2 = jnp.zeros((D,), dtype=jnp.float32)
    return {"h": h, "edge_index": edge_index, "edge_attr": edge_attr,
            "We1": We1, "be1": be1, "We2": We2, "be2": be2,
            "Wn1": Wn1, "bn1": bn1, "Wn2": Wn2, "bn2": bn2}


def reference(h, edge_index, edge_attr, We1, be1, We2, be2, Wn1, bn1, Wn2, bn2):
    row = edge_index[0]
    col = edge_index[1]
    # edge_model
    src = jnp.take(h, row, axis=0)
    tgt = jnp.take(h, col, axis=0)
    e_in = jnp.concatenate([src, tgt, edge_attr], axis=-1)
    m = jax.nn.silu(e_in @ We1 + be1)
    mij = jax.nn.silu(m @ We2 + be2)
    # no attention, no edge_mask -> edge_feat = mij
    # node_model: unsorted_segment_sum with 'sum' aggregation -> divide by normalization_factor
    agg = jax.ops.segment_sum(mij, row, num_segments=h.shape[0]) / NORM
    n_in = jnp.concatenate([h, agg], axis=1)
    h_out = h + (jax.nn.silu(n_in @ Wn1 + bn1) @ Wn2 + bn2)
    return (h_out, mij)

if __name__ == "__main__":
    import jax
    _d = setup_inputs()
    print(jax.jit(kernel)(*tuple(_d.values())))

</pallas_src>

<mosaic_0001>
#map = affine_map<(d0, d1) -> (0, 0)>
#map1 = affine_map<(d0, d1) -> (0)>
module attributes {stable_mosaic.version = 14 : i64} {
  func.func @body(%arg0: i32, %arg1: i32, %arg2: memref<10000x128xi32, #tpu.memory_space<hbm>>, %arg3: memref<10000x128xi32, #tpu.memory_space<hbm>>, %arg4: memref<160000xi32, #tpu.memory_space<hbm>>, %arg5: memref<160000xi32, #tpu.memory_space<hbm>>, %arg6: memref<160000x128xi32, #tpu.memory_space<hbm>>, %arg7: memref<160000x128xi32, #tpu.memory_space<hbm>>, %arg8: memref<5000xi32, #tpu.memory_space<vmem>>, %arg9: memref<5000xi32, #tpu.memory_space<vmem>>, %arg10: memref<104x128xi32, #tpu.memory_space<vmem>>, %arg11: memref<104x128xi32, #tpu.memory_space<vmem>>, %arg12: memref<104x128xi32, #tpu.memory_space<vmem>>, %arg13: memref<104x128xi32, #tpu.memory_space<vmem>>, %arg14: memref<104x128xi32, #tpu.memory_space<vmem>>, %arg15: memref<104x128xi32, #tpu.memory_space<vmem>>, %arg16: memref<104x128xi32, #tpu.memory_space<vmem>>, %arg17: memref<104x128xi32, #tpu.memory_space<vmem>>, %arg18: memref<8x128xi32, #tpu.memory_space<vmem>>, %arg19: memref<8x128xi32, #tpu.memory_space<vmem>>, %arg20: memref<!tpu.dma_semaphore, #tpu.memory_space<semaphore_mem>>, %arg21: memref<!tpu.dma_semaphore, #tpu.memory_space<semaphore_mem>>, %arg22: memref<!tpu.dma_semaphore, #tpu.memory_space<semaphore_mem>>, %arg23: memref<!tpu.dma_semaphore, #tpu.memory_space<semaphore_mem>>, %arg24: memref<!tpu.dma_semaphore, #tpu.memory_space<semaphore_mem>>, %arg25: memref<!tpu.dma_semaphore, #tpu.memory_space<semaphore_mem>>, %arg26: memref<!tpu.dma_semaphore, #tpu.memory_space<semaphore_mem>>, %arg27: memref<!tpu.dma_semaphore, #tpu.memory_space<semaphore_mem>>, %arg28: memref<!tpu.dma_semaphore, #tpu.memory_space<semaphore_mem>>, %arg29: memref<!tpu.dma_semaphore, #tpu.memory_space<semaphore_mem>>, %arg30: memref<!tpu.dma_semaphore, #tpu.memory_space<semaphore_mem>>, %arg31: memref<!tpu.dma_semaphore, #tpu.memory_space<semaphore_mem>>, %arg32: memref<!tpu.dma_semaphore, #tpu.memory_space<semaphore_mem>>) attributes {dimension_semantics = [#tpu.dimension_semantics<core_parallel>, #tpu.dimension_semantics<subcore_parallel>], iteration_bounds = array<i64: 2, 16>, scalar_prefetch = 0 : i64, scratch_operands = 25 : i64, tpu.core_type = #tpu.core_type<sc_vector_subcore>, window_params = [{transform_indices = #map}, {transform_indices = #map}, {transform_indices = #map1}, {transform_indices = #map1}, {transform_indices = #map}, {transform_indices = #map}]} {
    %mul3A = arith.constant 16 : i32
    %mul3A_0 = arith.muli %arg0, %mul3A : i32
    %add3A = arith.addi %mul3A_0, %arg1 : i32
    %mul3A_1 = arith.constant 5000 : i32
    %mul3A_2 = arith.muli %add3A, %mul3A_1 : i32
    %dma_start3A = tpu.memref_slice %arg4[%mul3A_2] : memref<160000xi32, #tpu.memory_space<hbm>> -> memref<5000xi32, #tpu.memory_space<hbm>>
    %dma_start3A_3 = tpu.memref_slice %arg4[%mul3A_2] : memref<160000xi32, #tpu.memory_space<hbm>> -> memref<5000xi32, #tpu.memory_space<hbm>>
    tpu.enqueue_dma source(%dma_start3A_3 : memref<5000xi32, #tpu.memory_space<hbm>>) target(%arg8 : memref<5000xi32, #tpu.memory_space<vmem>>) target_semaphore(%arg20 : memref<!tpu.dma_semaphore, #tpu.memory_space<semaphore_mem>>)
    %dma_start3A_4 = tpu.memref_slice %arg5[%mul3A_2] : memref<160000xi32, #tpu.memory_space<hbm>> -> memref<5000xi32, #tpu.memory_space<hbm>>
    %dma_start3A_5 = tpu.memref_slice %arg5[%mul3A_2] : memref<160000xi32, #tpu.memory_space<hbm>> -> memref<5000xi32, #tpu.memory_space<hbm>>
    tpu.enqueue_dma source(%dma_start3A_5 : memref<5000xi32, #tpu.memory_space<hbm>>) target(%arg9 : memref<5000xi32, #tpu.memory_space<vmem>>) target_semaphore(%arg20 : memref<!tpu.dma_semaphore, #tpu.memory_space<semaphore_mem>>)
    %dma_wait3A = tpu.memref_slice %arg4[%mul3A_2] : memref<160000xi32, #tpu.memory_space<hbm>> -> memref<5000xi32, #tpu.memory_space<hbm>>
    %dma_wait3A_6 = tpu.memref_slice %arg4[%mul3A_2] : memref<160000xi32, #tpu.memory_space<hbm>> -> memref<5000xi32, #tpu.memory_space<hbm>>
    tpu.wait_dma2 semaphore(%arg20 : memref<!tpu.dma_semaphore, #tpu.memory_space<semaphore_mem>>) src(%dma_wait3A_6 : memref<5000xi32, #tpu.memory_space<hbm>>) dst(%arg8 : memref<5000xi32, #tpu.memory_space<vmem>>)
    %dma_wait3A_7 = tpu.memref_slice %arg5[%mul3A_2] : memref<160000xi32, #tpu.memory_space<hbm>> -> memref<5000xi32, #tpu.memory_space<hbm>>
    %dma_wait3A_8 = tpu.memref_slice %arg5[%mul3A_2] : memref<160000xi32, #tpu.memory_space<hbm>> -> memref<5000xi32, #tpu.memory_space<hbm>>
    tpu.wait_dma2 semaphore(%arg20 : memref<!tpu.dma_semaphore, #tpu.memory_space<semaphore_mem>>) src(%dma_wait3A_8 : memref<5000xi32, #tpu.memory_space<hbm>>) dst(%arg9 : memref<5000xi32, #tpu.memory_space<vmem>>)
    %multiple_of3A = arith.constant 0 : i32
    %multiple_of3A_9 = tpu.assume_multiple %multiple_of3A, 8 : i32
    %dma_start3A_10 = tpu.memref_slice %arg8[%multiple_of3A_9] : memref<5000xi32, #tpu.memory_space<vmem>> -> memref<104xi32, #tpu.memory_space<vmem>>
    %dma_start3A_11 = arith.constant 0 : i32
    %dma_start3A_12 = arith.constant 0 : i32
    %dma_start3A_13 = tpu.memref_slice %arg2[%dma_start3A_11, %dma_start3A_12] : memref<10000x128xi32, #tpu.memory_space<hbm>> -> memref<10000x128xi32, #tpu.memory_space<hbm>>
    tpu.enqueue_indirect_dma source(%dma_start3A_13 : memref<10000x128xi32, #tpu.memory_space<hbm>>) target(%arg10 : memref<104x128xi32, #tpu.memory_space<vmem>>) offsets(%dma_start3A_10 : memref<104xi32, #tpu.memory_space<vmem>>) semaphore(%arg21 : memref<!tpu.dma_semaphore, #tpu.memory_space<semaphore_mem>>)
    %dma_start3A_14 = tpu.memref_slice %arg9[%multiple_of3A_9] : memref<5000xi32, #tpu.memory_space<vmem>> -> memref<104xi32, #tpu.memory_space<vmem>>
    %dma_start3A_15 = arith.constant 0 : i32
    %dma_start3A_16 = arith.constant 0 : i32
    %dma_start3A_17 = tpu.memref_slice %arg3[%dma_start3A_15, %dma_start3A_16] : memref<10000x128xi32, #tpu.memory_space<hbm>> -> memref<10000x128xi32, #tpu.memory_space<hbm>>
    tpu.enqueue_indirect_dma source(%dma_start3A_17 : memref<10000x128xi32, #tpu.memory_space<hbm>>) target(%arg11 : memref<104x128xi32, #tpu.memory_space<vmem>>) offsets(%dma_start3A_14 : memref<104xi32, #tpu.memory_space<vmem>>) semaphore(%arg22 : memref<!tpu.dma_semaphore, #tpu.memory_space<semaphore_mem>>)
    %multiple_of3A_18 = arith.constant 104 : i32
    %multiple_of3A_19 = tpu.assume_multiple %multiple_of3A_18, 8 : i32
    %dma_start3A_20 = tpu.memref_slice %arg8[%multiple_of3A_19] : memref<5000xi32, #tpu.memory_space<vmem>> -> memref<104xi32, #tpu.memory_space<vmem>>
    %dma_start3A_21 = arith.constant 0 : i32
    %dma_start3A_22 = arith.constant 0 : i32
    %dma_start3A_23 = tpu.memref_slice %arg2[%dma_start3A_21, %dma_start3A_22] : memref<10000x128xi32, #tpu.memory_space<hbm>> -> memref<10000x128xi32, #tpu.memory_space<hbm>>
    tpu.enqueue_indirect_dma source(%dma_start3A_23 : memref<10000x128xi32, #tpu.memory_space<hbm>>) target(%arg12 : memref<104x128xi32, #tpu.memory_space<vmem>>) offsets(%dma_start3A_20 : memref<104xi32, #tpu.memory_space<vmem>>) semaphore(%arg23 : memref<!tpu.dma_semaphore, #tpu.memory_space<semaphore_mem>>)
    %dma_start3A_24 = tpu.memref_slice %arg9[%multiple_of3A_19] : memref<5000xi32, #tpu.memory_space<vmem>> -> memref<104xi32, #tpu.memory_space<vmem>>
    %dma_start3A_25 = arith.constant 0 : i32
    %dma_start3A_26 = arith.constant 0 : i32
    %dma_start3A_27 = tpu.memref_slice %arg3[%dma_start3A_25, %dma_start3A_26] : memref<10000x128xi32, #tpu.memory_space<hbm>> -> memref<10000x128xi32, #tpu.memory_space<hbm>>
    tpu.enqueue_indirect_dma source(%dma_start3A_27 : memref<10000x128xi32, #tpu.memory_space<hbm>>) target(%arg13 : memref<104x128xi32, #tpu.memory_space<vmem>>) offsets(%dma_start3A_24 : memref<104xi32, #tpu.memory_space<vmem>>) semaphore(%arg24 : memref<!tpu.dma_semaphore, #tpu.memory_space<semaphore_mem>>)
    %multiple_of3A_28 = arith.constant 208 : i32
    %multiple_of3A_29 = tpu.assume_multiple %multiple_of3A_28, 8 : i32
    %dma_start3A_30 = tpu.memref_slice %arg8[%multiple_of3A_29] : memref<5000xi32, #tpu.memory_space<vmem>> -> memref<104xi32, #tpu.memory_space<vmem>>
    %dma_start3A_31 = arith.constant 0 : i32
    %dma_start3A_32 = arith.constant 0 : i32
    %dma_start3A_33 = tpu.memref_slice %arg2[%dma_start3A_31, %dma_start3A_32] : memref<10000x128xi32, #tpu.memory_space<hbm>> -> memref<10000x128xi32, #tpu.memory_space<hbm>>
    tpu.enqueue_indirect_dma source(%dma_start3A_33 : memref<10000x128xi32, #tpu.memory_space<hbm>>) target(%arg14 : memref<104x128xi32, #tpu.memory_space<vmem>>) offsets(%dma_start3A_30 : memref<104xi32, #tpu.memory_space<vmem>>) semaphore(%arg25 : memref<!tpu.dma_semaphore, #tpu.memory_space<semaphore_mem>>)
    %dma_start3A_34 = tpu.memref_slice %arg9[%multiple_of3A_29] : memref<5000xi32, #tpu.memory_space<vmem>> -> memref<104xi32, #tpu.memory_space<vmem>>
    %dma_start3A_35 = arith.constant 0 : i32
    %dma_start3A_36 = arith.constant 0 : i32
    %dma_start3A_37 = tpu.memref_slice %arg3[%dma_start3A_35, %dma_start3A_36] : memref<10000x128xi32, #tpu.memory_space<hbm>> -> memref<10000x128xi32, #tpu.memory_space<hbm>>
    tpu.enqueue_indirect_dma source(%dma_start3A_37 : memref<10000x128xi32, #tpu.memory_space<hbm>>) target(%arg15 : memref<104x128xi32, #tpu.memory_space<vmem>>) offsets(%dma_start3A_34 : memref<104xi32, #tpu.memory_space<vmem>>) semaphore(%arg26 : memref<!tpu.dma_semaphore, #tpu.memory_space<semaphore_mem>>)
    %multiple_of3A_38 = arith.constant 312 : i32
    %multiple_of3A_39 = tpu.assume_multiple %multiple_of3A_38, 8 : i32
    %dma_start3A_40 = tpu.memref_slice %arg8[%multiple_of3A_39] : memref<5000xi32, #tpu.memory_space<vmem>> -> memref<104xi32, #tpu.memory_space<vmem>>
    %dma_start3A_41 = arith.constant 0 : i32
    %dma_start3A_42 = arith.constant 0 : i32
    %dma_start3A_43 = tpu.memref_slice %arg2[%dma_start3A_41, %dma_start3A_42] : memref<10000x128xi32, #tpu.memory_space<hbm>> -> memref<10000x128xi32, #tpu.memory_space<hbm>>
    tpu.enqueue_indirect_dma source(%dma_start3A_43 : memref<10000x128xi32, #tpu.memory_space<hbm>>) target(%arg16 : memref<104x128xi32, #tpu.memory_space<vmem>>) offsets(%dma_start3A_40 : memref<104xi32, #tpu.memory_space<vmem>>) semaphore(%arg27 : memref<!tpu.dma_semaphore, #tpu.memory_space<semaphore_mem>>)
    %dma_start3A_44 = tpu.memref_slice %arg9[%multiple_of3A_39] : memref<5000xi32, #tpu.memory_space<vmem>> -> memref<104xi32, #tpu.memory_space<vmem>>
    %dma_start3A_45 = arith.constant 0 : i32
    %dma_start3A_46 = arith.constant 0 : i32
    %dma_start3A_47 = tpu.memref_slice %arg3[%dma_start3A_45, %dma_start3A_46] : memref<10000x128xi32, #tpu.memory_space<hbm>> -> memref<10000x128xi32, #tpu.memory_space<hbm>>
    tpu.enqueue_indirect_dma source(%dma_start3A_47 : memref<10000x128xi32, #tpu.memory_space<hbm>>) target(%arg17 : memref<104x128xi32, #tpu.memory_space<vmem>>) offsets(%dma_start3A_44 : memref<104xi32, #tpu.memory_space<vmem>>) semaphore(%arg28 : memref<!tpu.dma_semaphore, #tpu.memory_space<semaphore_mem>>)
    %scan3A = arith.constant 0 : i32
    %scan3A_48 = arith.constant 0 : i32
    %scan3A_49 = arith.constant 12 : i32
    %scan3A_50 = arith.addi %scan3A_48, %scan3A_49 : i32
    %scan3A_51 = arith.constant 1 : i32
    %scan3A_52 = scf.for %scan3A_116 = %scan3A_48 to %scan3A_50 step %scan3A_51 iter_args(%scan3A_117 = %scan3A) -> (i32)  : i32 {
      %mul3A_118 = arith.constant 4 : i32
      %mul3A_119 = arith.muli %mul3A_118, %scan3A_116 : i32
      %add3A_120 = arith.constant 0 : i32
      %add3A_121 = arith.addi %mul3A_119, %add3A_120 : i32
      %mul3A_122 = arith.constant 104 : i32
      %mul3A_123 = arith.muli %add3A_121, %mul3A_122 : i32
      %multiple_of3A_124 = tpu.assume_multiple %mul3A_123, 8 : i32
      %dma_wait3A_125 = tpu.memref_slice %arg8[%multiple_of3A_124] : memref<5000xi32, #tpu.memory_space<vmem>> -> memref<104xi32, #tpu.memory_space<vmem>>
      %dma_wait3A_126 = arith.constant 0 : i32
      %dma_wait3A_127 = arith.constant 0 : i32
      %dma_wait3A_128 = tpu.memref_slice %arg2[%dma_wait3A_126, %dma_wait3A_127] : memref<10000x128xi32, #tpu.memory_space<hbm>> -> memref<10000x128xi32, #tpu.memory_space<hbm>>
      tpu.wait_indirect_dma semaphore(%arg21 : memref<!tpu.dma_semaphore, #tpu.memory_space<semaphore_mem>>) src(%dma_wait3A_128 : memref<10000x128xi32, #tpu.memory_space<hbm>>) dst(%arg10 : memref<104x128xi32, #tpu.memory_space<vmem>>)
      %dma_wait3A_129 = tpu.memref_slice %arg9[%multiple_of3A_124] : memref<5000xi32, #tpu.memory_space<vmem>> -> memref<104xi32, #tpu.memory_space<vmem>>
      %dma_wait3A_130 = arith.constant 0 : i32
      %dma_wait3A_131 = arith.constant 0 : i32
      %dma_wait3A_132 = tpu.memref_slice %arg3[%dma_wait3A_130, %dma_wait3A_131] : memref<10000x128xi32, #tpu.memory_space<hbm>> -> memref<10000x128xi32, #tpu.memory_space<hbm>>
      tpu.wait_indirect_dma semaphore(%arg22 : memref<!tpu.dma_semaphore, #tpu.memory_space<semaphore_mem>>) src(%dma_wait3A_132 : memref<10000x128xi32, #tpu.memory_space<hbm>>) dst(%arg11 : memref<104x128xi32, #tpu.memory_space<vmem>>)
      %mul3A_133 = arith.constant 4 : i32
      %mul3A_134 = arith.muli %mul3A_133, %scan3A_116 : i32
      %add3A_135 = arith.constant 0 : i32
      %add3A_136 = arith.addi %mul3A_134, %add3A_135 : i32
      %mul3A_137 = arith.constant 104 : i32
      %mul3A_138 = arith.muli %add3A_136, %mul3A_137 : i32
      %add3A_139 = arith.addi %mul3A_2, %mul3A_138 : i32
      %dma_start3A_140 = arith.constant 0 : i32
      %dma_start3A_141 = tpu.memref_slice %arg6[%add3A_139, %dma_start3A_140] : memref<160000x128xi32, #tpu.memory_space<hbm>> -> memref<104x128xi32, #tpu.memory_space<hbm>>
      %dma_start3A_142 = arith.constant 0 : i32
      %dma_start3A_143 = tpu.memref_slice %arg6[%add3A_139, %dma_start3A_142] : memref<160000x128xi32, #tpu.memory_space<hbm>> -> memref<104x128xi32, #tpu.memory_space<hbm>>
      tpu.enqueue_dma source(%arg10 : memref<104x128xi32, #tpu.memory_space<vmem>>) target(%dma_start3A_143 : memref<104x128xi32, #tpu.memory_space<hbm>>) target_semaphore(%arg29 : memref<!tpu.dma_semaphore, #tpu.memory_space<semaphore_mem>>)
      %dma_start3A_144 = arith.constant 0 : i32
      %dma_start3A_145 = tpu.memref_slice %arg7[%add3A_139, %dma_start3A_144] : memref<160000x128xi32, #tpu.memory_space<hbm>> -> memref<104x128xi32, #tpu.memory_space<hbm>>
      %dma_start3A_146 = arith.constant 0 : i32
      %dma_start3A_147 = tpu.memref_slice %arg7[%add3A_139, %dma_start3A_146] : memref<160000x128xi32, #tpu.memory_space<hbm>> -> memref<104x128xi32, #tpu.memory_space<hbm>>
      tpu.enqueue_dma source(%arg11 : memref<104x128xi32, #tpu.memory_space<vmem>>) target(%dma_start3A_147 : memref<104x128xi32, #tpu.memory_space<hbm>>) target_semaphore(%arg29 : memref<!tpu.dma_semaphore, #tpu.memory_space<semaphore_mem>>)
      %mul3A_148 = arith.constant 4 : i32
      %mul3A_149 = arith.muli %mul3A_148, %scan3A_116 : i32
      %add3A_150 = arith.constant 1 : i32
      %add3A_151 = arith.addi %mul3A_149, %add3A_150 : i32
      %mul3A_152 = arith.constant 104 : i32
      %mul3A_153 = arith.muli %add3A_151, %mul3A_152 : i32
      %multiple_of3A_154 = tpu.assume_multiple %mul3A_153, 8 : i32
      %dma_wait3A_155 = tpu.memref_slice %arg8[%multiple_of3A_154] : memref<5000xi32, #tpu.memory_space<vmem>> -> memref<104xi32, #tpu.memory_space<vmem>>
      %dma_wait3A_156 = arith.constant 0 : i32
      %dma_wait3A_157 = arith.constant 0 : i32
      %dma_wait3A_158 = tpu.memref_slice %arg2[%dma_wait3A_156, %dma_wait3A_157] : memref<10000x128xi32, #tpu.memory_space<hbm>> -> memref<10000x128xi32, #tpu.memory_space<hbm>>
      tpu.wait_indirect_dma semaphore(%arg23 : memref<!tpu.dma_semaphore, #tpu.memory_space<semaphore_mem>>) src(%dma_wait3A_158 : memref<10000x128xi32, #tpu.memory_space<hbm>>) dst(%arg12 : memref<104x128xi32, #tpu.memory_space<vmem>>)
      %dma_wait3A_159 = tpu.memref_slice %arg9[%multiple_of3A_154] : memref<5000xi32, #tpu.memory_space<vmem>> -> memref<104xi32, #tpu.memory_space<vmem>>
      %dma_wait3A_160 = arith.constant 0 : i32
      %dma_wait3A_161 = arith.constant 0 : i32
      %dma_wait3A_162 = tpu.memref_slice %arg3[%dma_wait3A_160, %dma_wait3A_161] : memref<10000x128xi32, #tpu.memory_space<hbm>> -> memref<10000x128xi32, #tpu.memory_space<hbm>>
      tpu.wait_indirect_dma semaphore(%arg24 : memref<!tpu.dma_semaphore, #tpu.memory_space<semaphore_mem>>) src(%dma_wait3A_162 : memref<10000x128xi32, #tpu.memory_space<hbm>>) dst(%arg13 : memref<104x128xi32, #tpu.memory_space<vmem>>)
      %mul3A_163 = arith.constant 4 : i32
      %mul3A_164 = arith.muli %mul3A_163, %scan3A_116 : i32
      %add3A_165 = arith.constant 1 : i32
      %add3A_166 = arith.addi %mul3A_164, %add3A_165 : i32
      %mul3A_167 = arith.constant 104 : i32
      %mul3A_168 = arith.muli %add3A_166, %mul3A_167 : i32
      %add3A_169 = arith.addi %mul3A_2, %mul3A_168 : i32
      %dma_start3A_170 = arith.constant 0 : i32
      %dma_start3A_171 = tpu.memref_slice %arg6[%add3A_169, %dma_start3A_170] : memref<160000x128xi32, #tpu.memory_space<hbm>> -> memref<104x128xi32, #tpu.memory_space<hbm>>
      %dma_start3A_172 = arith.constant 0 : i32
      %dma_start3A_173 = tpu.memref_slice %arg6[%add3A_169, %dma_start3A_172] : memref<160000x128xi32, #tpu.memory_space<hbm>> -> memref<104x128xi32, #tpu.memory_space<hbm>>
      tpu.enqueue_dma source(%arg12 : memref<104x128xi32, #tpu.memory_space<vmem>>) target(%dma_start3A_173 : memref<104x128xi32, #tpu.memory_space<hbm>>) target_semaphore(%arg30 : memref<!tpu.dma_semaphore, #tpu.memory_space<semaphore_mem>>)
      %dma_start3A_174 = arith.constant 0 : i32
      %dma_start3A_175 = tpu.memref_slice %arg7[%add3A_169, %dma_start3A_174] : memref<160000x128xi32, #tpu.memory_space<hbm>> -> memref<104x128xi32, #tpu.memory_space<hbm>>
      %dma_start3A_176 = arith.constant 0 : i32
      %dma_start3A_177 = tpu.memref_slice %arg7[%add3A_169, %dma_start3A_176] : memref<160000x128xi32, #tpu.memory_space<hbm>> -> memref<104x128xi32, #tpu.memory_space<hbm>>
      tpu.enqueue_dma source(%arg13 : memref<104x128xi32, #tpu.memory_space<vmem>>) target(%dma_start3A_177 : memref<104x128xi32, #tpu.memory_space<hbm>>) target_semaphore(%arg30 : memref<!tpu.dma_semaphore, #tpu.memory_space<semaphore_mem>>)
      %mul3A_178 = arith.constant 4 : i32
      %mul3A_179 = arith.muli %mul3A_178, %scan3A_116 : i32
      %add3A_180 = arith.constant 2 : i32
      %add3A_181 = arith.addi %mul3A_179, %add3A_180 : i32
      %mul3A_182 = arith.constant 104 : i32
      %mul3A_183 = arith.muli %add3A_181, %mul3A_182 : i32
      %multiple_of3A_184 = tpu.assume_multiple %mul3A_183, 8 : i32
      %dma_wait3A_185 = tpu.memref_slice %arg8[%multiple_of3A_184] : memref<5000xi32, #tpu.memory_space<vmem>> -> memref<104xi32, #tpu.memory_space<vmem>>
      %dma_wait3A_186 = arith.constant 0 : i32
      %dma_wait3A_187 = arith.constant 0 : i32
      %dma_wait3A_188 = tpu.memref_slice %arg2[%dma_wait3A_186, %dma_wait3A_187] : memref<10000x128xi32, #tpu.memory_space<hbm>> -> memref<10000x128xi32, #tpu.memory_space<hbm>>
      tpu.wait_indirect_dma semaphore(%arg25 : memref<!tpu.dma_semaphore, #tpu.memory_space<semaphore_mem>>) src(%dma_wait3A_188 : memref<10000x128xi32, #tpu.memory_space<hbm>>) dst(%arg14 : memref<104x128xi32, #tpu.memory_space<vmem>>)
      %dma_wait3A_189 = tpu.memref_slice %arg9[%multiple_of3A_184] : memref<5000xi32, #tpu.memory_space<vmem>> -> memref<104xi32, #tpu.memory_space<vmem>>
      %dma_wait3A_190 = arith.constant 0 : i32
      %dma_wait3A_191 = arith.constant 0 : i32
      %dma_wait3A_192 = tpu.memref_slice %arg3[%dma_wait3A_190, %dma_wait3A_191] : memref<10000x128xi32, #tpu.memory_space<hbm>> -> memref<10000x128xi32, #tpu.memory_space<hbm>>
      tpu.wait_indirect_dma semaphore(%arg26 : memref<!tpu.dma_semaphore, #tpu.memory_space<semaphore_mem>>) src(%dma_wait3A_192 : memref<10000x128xi32, #tpu.memory_space<hbm>>) dst(%arg15 : memref<104x128xi32, #tpu.memory_space<vmem>>)
      %mul3A_193 = arith.constant 4 : i32
      %mul3A_194 = arith.muli %mul3A_193, %scan3A_116 : i32
      %add3A_195 = arith.constant 2 : i32
      %add3A_196 = arith.addi %mul3A_194, %add3A_195 : i32
      %mul3A_197 = arith.constant 104 : i32
      %mul3A_198 = arith.muli %add3A_196, %mul3A_197 : i32
      %add3A_199 = arith.addi %mul3A_2, %mul3A_198 : i32
      %dma_start3A_200 = arith.constant 0 : i32
      %dma_start3A_201 = tpu.memref_slice %arg6[%add3A_199, %dma_start3A_200] : memref<160000x128xi32, #tpu.memory_space<hbm>> -> memref<104x128xi32, #tpu.memory_space<hbm>>
      %dma_start3A_202 = arith.constant 0 : i32
      %dma_start3A_203 = tpu.memref_slice %arg6[%add3A_199, %dma_start3A_202] : memref<160000x128xi32, #tpu.memory_space<hbm>> -> memref<104x128xi32, #tpu.memory_space<hbm>>
      tpu.enqueue_dma source(%arg14 : memref<104x128xi32, #tpu.memory_space<vmem>>) target(%dma_start3A_203 : memref<104x128xi32, #tpu.memory_space<hbm>>) target_semaphore(%arg31 : memref<!tpu.dma_semaphore, #tpu.memory_space<semaphore_mem>>)
      %dma_start3A_204 = arith.constant 0 : i32
      %dma_start3A_205 = tpu.memref_slice %arg7[%add3A_199, %dma_start3A_204] : memref<160000x128xi32, #tpu.memory_space<hbm>> -> memref<104x128xi32, #tpu.memory_space<hbm>>
      %dma_start3A_206 = arith.constant 0 : i32
      %dma_start3A_207 = tpu.memref_slice %arg7[%add3A_199, %dma_start3A_206] : memref<160000x128xi32, #tpu.memory_space<hbm>> -> memref<104x128xi32, #tpu.memory_space<hbm>>
      tpu.enqueue_dma source(%arg15 : memref<104x128xi32, #tpu.memory_space<vmem>>) target(%dma_start3A_207 : memref<104x128xi32, #tpu.memory_space<hbm>>) target_semaphore(%arg31 : memref<!tpu.dma_semaphore, #tpu.memory_space<semaphore_mem>>)
      %mul3A_208 = arith.constant 4 : i32
      %mul3A_209 = arith.muli %mul3A_208, %scan3A_116 : i32
      %add3A_210 = arith.constant 3 : i32
      %add3A_211 = arith.addi %mul3A_209, %add3A_210 : i32
      %mul3A_212 = arith.constant 104 : i32
      %mul3A_213 = arith.muli %add3A_211, %mul3A_212 : i32
      %multiple_of3A_214 = tpu.assume_multiple %mul3A_213, 8 : i32
      %dma_wait3A_215 = tpu.memref_slice %arg8[%multiple_of3A_214] : memref<5000xi32, #tpu.memory_space<vmem>> -> memref<104xi32, #tpu.memory_space<vmem>>
      %dma_wait3A_216 = arith.constant 0 : i32
      %dma_wait3A_217 = arith.constant 0 : i32
      %dma_wait3A_218 = tpu.memref_slice %arg2[%dma_wait3A_216, %dma_wait3A_217] : memref<10000x128xi32, #tpu.memory_space<hbm>> -> memref<10000x128xi32, #tpu.memory_space<hbm>>
      tpu.wait_indirect_dma semaphore(%arg27 : memref<!tpu.dma_semaphore, #tpu.memory_space<semaphore_mem>>) src(%dma_wait3A_218 : memref<10000x128xi32, #tpu.memory_space<hbm>>) dst(%arg16 : memref<104x128xi32, #tpu.memory_space<vmem>>)
      %dma_wait3A_219 = tpu.memref_slice %arg9[%multiple_of3A_214] : memref<5000xi32, #tpu.memory_space<vmem>> -> memref<104xi32, #tpu.memory_space<vmem>>
      %dma_wait3A_220 = arith.constant 0 : i32
      %dma_wait3A_221 = arith.constant 0 : i32
      %dma_wait3A_222 = tpu.memref_slice %arg3[%dma_wait3A_220, %dma_wait3A_221] : memref<10000x128xi32, #tpu.memory_space<hbm>> -> memref<10000x128xi32, #tpu.memory_space<hbm>>
      tpu.wait_indirect_dma semaphore(%arg28 : memref<!tpu.dma_semaphore, #tpu.memory_space<semaphore_mem>>) src(%dma_wait3A_222 : memref<10000x128xi32, #tpu.memory_space<hbm>>) dst(%arg17 : memref<104x128xi32, #tpu.memory_space<vmem>>)
      %mul3A_223 = arith.constant 4 : i32
      %mul3A_224 = arith.muli %mul3A_223, %scan3A_116 : i32
      %add3A_225 = arith.constant 3 : i32
      %add3A_226 = arith.addi %mul3A_224, %add3A_225 : i32
      %mul3A_227 = arith.constant 104 : i32
      %mul3A_228 = arith.muli %add3A_226, %mul3A_227 : i32
      %add3A_229 = arith.addi %mul3A_2, %mul3A_228 : i32
      %dma_start3A_230 = arith.constant 0 : i32
      %dma_start3A_231 = tpu.memref_slice %arg6[%add3A_229, %dma_start3A_230] : memref<160000x128xi32, #tpu.memory_space<hbm>> -> memref<104x128xi32, #tpu.memory_space<hbm>>
      %dma_start3A_232 = arith.constant 0 : i32
      %dma_start3A_233 = tpu.memref_slice %arg6[%add3A_229, %dma_start3A_232] : memref<160000x128xi32, #tpu.memory_space<hbm>> -> memref<104x128xi32, #tpu.memory_space<hbm>>
      tpu.enqueue_dma source(%arg16 : memref<104x128xi32, #tpu.memory_space<vmem>>) target(%dma_start3A_233 : memref<104x128xi32, #tpu.memory_space<hbm>>) target_semaphore(%arg32 : memref<!tpu.dma_semaphore, #tpu.memory_space<semaphore_mem>>)
      %dma_start3A_234 = arith.constant 0 : i32
      %dma_start3A_235 = tpu.memref_slice %arg7[%add3A_229, %dma_start3A_234] : memref<160000x128xi32, #tpu.memory_space<hbm>> -> memref<104x128xi32, #tpu.memory_space<hbm>>
      %dma_start3A_236 = arith.constant 0 : i32
      %dma_start3A_237 = tpu.memref_slice %arg7[%add3A_229, %dma_start3A_236] : memref<160000x128xi32, #tpu.memory_space<hbm>> -> memref<104x128xi32, #tpu.memory_space<hbm>>
      tpu.enqueue_dma source(%arg17 : memref<104x128xi32, #tpu.memory_space<vmem>>) target(%dma_start3A_237 : memref<104x128xi32, #tpu.memory_space<hbm>>) target_semaphore(%arg32 : memref<!tpu.dma_semaphore, #tpu.memory_space<semaphore_mem>>)
      %lt3A = arith.constant 11 : i32
      %lt3A_238 = arith.cmpi slt, %scan3A_116, %lt3A : i32
      %convert_element_type3A = arith.extui %lt3A_238 : i1 to i32
      %cond3A = arith.constant 0 : i32
      %cond3A_239 = arith.cmpi ne, %convert_element_type3A, %cond3A : i32
      scf.if %cond3A_239 {
        %mul3A_256 = arith.constant 4 : i32
        %mul3A_257 = arith.muli %mul3A_256, %scan3A_116 : i32
        %add3A_258 = arith.constant 0 : i32
        %add3A_259 = arith.addi %mul3A_257, %add3A_258 : i32
        %mul3A_260 = arith.constant 104 : i32
        %mul3A_261 = arith.muli %add3A_259, %mul3A_260 : i32
        %add3A_262 = arith.addi %mul3A_2, %mul3A_261 : i32
        %dma_wait3A_263 = arith.constant 0 : i32
        %dma_wait3A_264 = tpu.memref_slice %arg6[%add3A_262, %dma_wait3A_263] : memref<160000x128xi32, #tpu.memory_space<hbm>> -> memref<104x128xi32, #tpu.memory_space<hbm>>
        %dma_wait3A_265 = arith.constant 0 : i32
        %dma_wait3A_266 = tpu.memref_slice %arg6[%add3A_262, %dma_wait3A_265] : memref<160000x128xi32, #tpu.memory_space<hbm>> -> memref<104x128xi32, #tpu.memory_space<hbm>>
        tpu.wait_dma2 semaphore(%arg29 : memref<!tpu.dma_semaphore, #tpu.memory_space<semaphore_mem>>) src(%arg10 : memref<104x128xi32, #tpu.memory_space<vmem>>) dst(%dma_wait3A_266 : memref<104x128xi32, #tpu.memory_space<hbm>>)
        %dma_wait3A_267 = arith.constant 0 : i32
        %dma_wait3A_268 = tpu.memref_slice %arg7[%add3A_262, %dma_wait3A_267] : memref<160000x128xi32, #tpu.memory_space<hbm>> -> memref<104x128xi32, #tpu.memory_space<hbm>>
        %dma_wait3A_269 = arith.constant 0 : i32
        %dma_wait3A_270 = tpu.memref_slice %arg7[%add3A_262, %dma_wait3A_269] : memref<160000x128xi32, #tpu.memory_space<hbm>> -> memref<104x128xi32, #tpu.memory_space<hbm>>
        tpu.wait_dma2 semaphore(%arg29 : memref<!tpu.dma_semaphore, #tpu.memory_space<semaphore_mem>>) src(%arg11 : memref<104x128xi32, #tpu.memory_space<vmem>>) dst(%dma_wait3A_270 : memref<104x128xi32, #tpu.memory_space<hbm>>)
        %add3A_271 = arith.constant 1 : i32
        %add3A_272 = arith.addi %scan3A_116, %add3A_271 : i32
        %mul3A_273 = arith.constant 4 : i32
        %mul3A_274 = arith.muli %mul3A_273, %add3A_272 : i32
        %add3A_275 = arith.constant 0 : i32
        %add3A_276 = arith.addi %mul3A_274, %add3A_275 : i32
        %mul3A_277 = arith.constant 104 : i32
        %mul3A_278 = arith.muli %add3A_276, %mul3A_277 : i32
        %multiple_of3A_279 = tpu.assume_multiple %mul3A_278, 8 : i32
        %dma_start3A_280 = tpu.memref_slice %arg8[%multiple_of3A_279] : memref<5000xi32, #tpu.memory_space<vmem>> -> memref<104xi32, #tpu.memory_space<vmem>>
        %dma_start3A_281 = arith.constant 0 : i32
        %dma_start3A_282 = arith.constant 0 : i32
        %dma_start3A_283 = tpu.memref_slice %arg2[%dma_start3A_281, %dma_start3A_282] : memref<10000x128xi32, #tpu.memory_space<hbm>> -> memref<10000x128xi32, #tpu.memory_space<hbm>>
        tpu.enqueue_indirect_dma source(%dma_start3A_283 : memref<10000x128xi32, #tpu.memory_space<hbm>>) target(%arg10 : memref<104x128xi32, #tpu.memory_space<vmem>>) offsets(%dma_start3A_280 : memref<104xi32, #tpu.memory_space<vmem>>) semaphore(%arg21 : memref<!tpu.dma_semaphore, #tpu.memory_space<semaphore_mem>>)
        %dma_start3A_284 = tpu.memref_slice %arg9[%multiple_of3A_279] : memref<5000xi32, #tpu.memory_space<vmem>> -> memref<104xi32, #tpu.memory_space<vmem>>
        %dma_start3A_285 = arith.constant 0 : i32
        %dma_start3A_286 = arith.constant 0 : i32
        %dma_start3A_287 = tpu.memref_slice %arg3[%dma_start3A_285, %dma_start3A_286] : memref<10000x128xi32, #tpu.memory_space<hbm>> -> memref<10000x128xi32, #tpu.memory_space<hbm>>
        tpu.enqueue_indirect_dma source(%dma_start3A_287 : memref<10000x128xi32, #tpu.memory_space<hbm>>) target(%arg11 : memref<104x128xi32, #tpu.memory_space<vmem>>) offsets(%dma_start3A_284 : memref<104xi32, #tpu.memory_space<vmem>>) semaphore(%arg22 : memref<!tpu.dma_semaphore, #tpu.memory_space<semaphore_mem>>)
      } else {
      }
      %lt3A_240 = arith.constant 11 : i32
      %lt3A_241 = arith.cmpi slt, %scan3A_116, %lt3A_240 : i32
      %convert_element_type3A_242 = arith.extui %lt3A_241 : i1 to i32
      %cond3A_243 = arith.constant 0 : i32
      %cond3A_244 = arith.cmpi ne, %convert_element_type3A_242, %cond3A_243 : i32
      scf.if %cond3A_244 {
        %mul3A_256 = arith.constant 4 : i32
        %mul3A_257 = arith.muli %mul3A_256, %scan3A_116 : i32
        %add3A_258 = arith.constant 1 : i32
        %add3A_259 = arith.addi %mul3A_257, %add3A_258 : i32
        %mul3A_260 = arith.constant 104 : i32
        %mul3A_261 = arith.muli %add3A_259, %mul3A_260 : i32
        %add3A_262 = arith.addi %mul3A_2, %mul3A_261 : i32
        %dma_wait3A_263 = arith.constant 0 : i32
        %dma_wait3A_264 = tpu.memref_slice %arg6[%add3A_262, %dma_wait3A_263] : memref<160000x128xi32, #tpu.memory_space<hbm>> -> memref<104x128xi32, #tpu.memory_space<hbm>>
        %dma_wait3A_265 = arith.constant 0 : i32
        %dma_wait3A_266 = tpu.memref_slice %arg6[%add3A_262, %dma_wait3A_265] : memref<160000x128xi32, #tpu.memory_space<hbm>> -> memref<104x128xi32, #tpu.memory_space<hbm>>
        tpu.wait_dma2 semaphore(%arg30 : memref<!tpu.dma_semaphore, #tpu.memory_space<semaphore_mem>>) src(%arg12 : memref<104x128xi32, #tpu.memory_space<vmem>>) dst(%dma_wait3A_266 : memref<104x128xi32, #tpu.memory_space<hbm>>)
        %dma_wait3A_267 = arith.constant 0 : i32
        %dma_wait3A_268 = tpu.memref_slice %arg7[%add3A_262, %dma_wait3A_267] : memref<160000x128xi32, #tpu.memory_space<hbm>> -> memref<104x128xi32, #tpu.memory_space<hbm>>
        %dma_wait3A_269 = arith.constant 0 : i32
        %dma_wait3A_270 = tpu.memref_slice %arg7[%add3A_262, %dma_wait3A_269] : memref<160000x128xi32, #tpu.memory_space<hbm>> -> memref<104x128xi32, #tpu.memory_space<hbm>>
        tpu.wait_dma2 semaphore(%arg30 : memref<!tpu.dma_semaphore, #tpu.memory_space<semaphore_mem>>) src(%arg13 : memref<104x128xi32, #tpu.memory_space<vmem>>) dst(%dma_wait3A_270 : memref<104x128xi32, #tpu.memory_space<hbm>>)
        %add3A_271 = arith.constant 1 : i32
        %add3A_272 = arith.addi %scan3A_116, %add3A_271 : i32
        %mul3A_273 = arith.constant 4 : i32
        %mul3A_274 = arith.muli %mul3A_273, %add3A_272 : i32
        %add3A_275 = arith.constant 1 : i32
        %add3A_276 = arith.addi %mul3A_274, %add3A_275 : i32
        %mul3A_277 = arith.constant 104 : i32
        %mul3A_278 = arith.muli %add3A_276, %mul3A_277 : i32
        %multiple_of3A_279 = tpu.assume_multiple %mul3A_278, 8 : i32
        %dma_start3A_280 = tpu.memref_slice %arg8[%multiple_of3A_279] : memref<5000xi32, #tpu.memory_space<vmem>> -> memref<104xi32, #tpu.memory_space<vmem>>
        %dma_start3A_281 = arith.constant 0 : i32
        %dma_start3A_282 = arith.constant 0 : i32
        %dma_start3A_283 = tpu.memref_slice %arg2[%dma_start3A_281, %dma_start3A_282] : memref<10000x128xi32, #tpu.memory_space<hbm>> -> memref<10000x128xi32, #tpu.memory_space<hbm>>
        tpu.enqueue_indirect_dma source(%dma_start3A_283 : memref<10000x128xi32, #tpu.memory_space<hbm>>) target(%arg12 : memref<104x128xi32, #tpu.memory_space<vmem>>) offsets(%dma_start3A_280 : memref<104xi32, #tpu.memory_space<vmem>>) semaphore(%arg23 : memref<!tpu.dma_semaphore, #tpu.memory_space<semaphore_mem>>)
        %dma_start3A_284 = tpu.memref_slice %arg9[%multiple_of3A_279] : memref<5000xi32, #tpu.memory_space<vmem>> -> memref<104xi32, #tpu.memory_space<vmem>>
        %dma_start3A_285 = arith.constant 0 : i32
        %dma_start3A_286 = arith.constant 0 : i32
        %dma_start3A_287 = tpu.memref_slice %arg3[%dma_start3A_285, %dma_start3A_286] : memref<10000x128xi32, #tpu.memory_space<hbm>> -> memref<10000x128xi32, #tpu.memory_space<hbm>>
        tpu.enqueue_indirect_dma source(%dma_start3A_287 : memref<10000x128xi32, #tpu.memory_space<hbm>>) target(%arg13 : memref<104x128xi32, #tpu.memory_space<vmem>>) offsets(%dma_start3A_284 : memref<104xi32, #tpu.memory_space<vmem>>) semaphore(%arg24 : memref<!tpu.dma_semaphore, #tpu.memory_space<semaphore_mem>>)
      } else {
      }
      %lt3A_245 = arith.constant 11 : i32
      %lt3A_246 = arith.cmpi slt, %scan3A_116, %lt3A_245 : i32
      %convert_element_type3A_247 = arith.extui %lt3A_246 : i1 to i32
      %cond3A_248 = arith.constant 0 : i32
      %cond3A_249 = arith.cmpi ne, %convert_element_type3A_247, %cond3A_248 : i32
      scf.if %cond3A_249 {
        %mul3A_256 = arith.constant 4 : i32
        %mul3A_257 = arith.muli %mul3A_256, %scan3A_116 : i32
        %add3A_258 = arith.constant 2 : i32
        %add3A_259 = arith.addi %mul3A_257, %add3A_258 : i32
        %mul3A_260 = arith.constant 104 : i32
        %mul3A_261 = arith.muli %add3A_259, %mul3A_260 : i32
        %add3A_262 = arith.addi %mul3A_2, %mul3A_261 : i32
        %dma_wait3A_263 = arith.constant 0 : i32
        %dma_wait3A_264 = tpu.memref_slice %arg6[%add3A_262, %dma_wait3A_263] : memref<160000x128xi32, #tpu.memory_space<hbm>> -> memref<104x128xi32, #tpu.memory_space<hbm>>
        %dma_wait3A_265 = arith.constant 0 : i32
        %dma_wait3A_266 = tpu.memref_slice %arg6[%add3A_262, %dma_wait3A_265] : memref<160000x128xi32, #tpu.memory_space<hbm>> -> memref<104x128xi32, #tpu.memory_space<hbm>>
        tpu.wait_dma2 semaphore(%arg31 : memref<!tpu.dma_semaphore, #tpu.memory_space<semaphore_mem>>) src(%arg14 : memref<104x128xi32, #tpu.memory_space<vmem>>) dst(%dma_wait3A_266 : memref<104x128xi32, #tpu.memory_space<hbm>>)
        %dma_wait3A_267 = arith.constant 0 : i32
        %dma_wait3A_268 = tpu.memref_slice %arg7[%add3A_262, %dma_wait3A_267] : memref<160000x128xi32, #tpu.memory_space<hbm>> -> memref<104x128xi32, #tpu.memory_space<hbm>>
        %dma_wait3A_269 = arith.constant 0 : i32
        %dma_wait3A_270 = tpu.memref_slice %arg7[%add3A_262, %dma_wait3A_269] : memref<160000x128xi32, #tpu.memory_space<hbm>> -> memref<104x128xi32, #tpu.memory_space<hbm>>
        tpu.wait_dma2 semaphore(%arg31 : memref<!tpu.dma_semaphore, #tpu.memory_space<semaphore_mem>>) src(%arg15 : memref<104x128xi32, #tpu.memory_space<vmem>>) dst(%dma_wait3A_270 : memref<104x128xi32, #tpu.memory_space<hbm>>)
        %add3A_271 = arith.constant 1 : i32
        %add3A_272 = arith.addi %scan3A_116, %add3A_271 : i32
        %mul3A_273 = arith.constant 4 : i32
        %mul3A_274 = arith.muli %mul3A_273, %add3A_272 : i32
        %add3A_275 = arith.constant 2 : i32
        %add3A_276 = arith.addi %mul3A_274, %add3A_275 : i32
        %mul3A_277 = arith.constant 104 : i32
        %mul3A_278 = arith.muli %add3A_276, %mul3A_277 : i32
        %multiple_of3A_279 = tpu.assume_multiple %mul3A_278, 8 : i32
        %dma_start3A_280 = tpu.memref_slice %arg8[%multiple_of3A_279] : memref<5000xi32, #tpu.memory_space<vmem>> -> memref<104xi32, #tpu.memory_space<vmem>>
        %dma_start3A_281 = arith.constant 0 : i32
        %dma_start3A_282 = arith.constant 0 : i32
        %dma_start3A_283 = tpu.memref_slice %arg2[%dma_start3A_281, %dma_start3A_282] : memref<10000x128xi32, #tpu.memory_space<hbm>> -> memref<10000x128xi32, #tpu.memory_space<hbm>>
        tpu.enqueue_indirect_dma source(%dma_start3A_283 : memref<10000x128xi32, #tpu.memory_space<hbm>>) target(%arg14 : memref<104x128xi32, #tpu.memory_space<vmem>>) offsets(%dma_start3A_280 : memref<104xi32, #tpu.memory_space<vmem>>) semaphore(%arg25 : memref<!tpu.dma_semaphore, #tpu.memory_space<semaphore_mem>>)
        %dma_start3A_284 = tpu.memref_slice %arg9[%multiple_of3A_279] : memref<5000xi32, #tpu.memory_space<vmem>> -> memref<104xi32, #tpu.memory_space<vmem>>
        %dma_start3A_285 = arith.constant 0 : i32
        %dma_start3A_286 = arith.constant 0 : i32
        %dma_start3A_287 = tpu.memref_slice %arg3[%dma_start3A_285, %dma_start3A_286] : memref<10000x128xi32, #tpu.memory_space<hbm>> -> memref<10000x128xi32, #tpu.memory_space<hbm>>
        tpu.enqueue_indirect_dma source(%dma_start3A_287 : memref<10000x128xi32, #tpu.memory_space<hbm>>) target(%arg15 : memref<104x128xi32, #tpu.memory_space<vmem>>) offsets(%dma_start3A_284 : memref<104xi32, #tpu.memory_space<vmem>>) semaphore(%arg26 : memref<!tpu.dma_semaphore, #tpu.memory_space<semaphore_mem>>)
      } else {
      }
      %lt3A_250 = arith.constant 11 : i32
      %lt3A_251 = arith.cmpi slt, %scan3A_116, %lt3A_250 : i32
      %convert_element_type3A_252 = arith.extui %lt3A_251 : i1 to i32
      %cond3A_253 = arith.constant 0 : i32
      %cond3A_254 = arith.cmpi ne, %convert_element_type3A_252, %cond3A_253 : i32
      scf.if %cond3A_254 {
        %mul3A_256 = arith.constant 4 : i32
        %mul3A_257 = arith.muli %mul3A_256, %scan3A_116 : i32
        %add3A_258 = arith.constant 3 : i32
        %add3A_259 = arith.addi %mul3A_257, %add3A_258 : i32
        %mul3A_260 = arith.constant 104 : i32
        %mul3A_261 = arith.muli %add3A_259, %mul3A_260 : i32
        %add3A_262 = arith.addi %mul3A_2, %mul3A_261 : i32
        %dma_wait3A_263 = arith.constant 0 : i32
        %dma_wait3A_264 = tpu.memref_slice %arg6[%add3A_262, %dma_wait3A_263] : memref<160000x128xi32, #tpu.memory_space<hbm>> -> memref<104x128xi32, #tpu.memory_space<hbm>>
        %dma_wait3A_265 = arith.constant 0 : i32
        %dma_wait3A_266 = tpu.memref_slice %arg6[%add3A_262, %dma_wait3A_265] : memref<160000x128xi32, #tpu.memory_space<hbm>> -> memref<104x128xi32, #tpu.memory_space<hbm>>
        tpu.wait_dma2 semaphore(%arg32 : memref<!tpu.dma_semaphore, #tpu.memory_space<semaphore_mem>>) src(%arg16 : memref<104x128xi32, #tpu.memory_space<vmem>>) dst(%dma_wait3A_266 : memref<104x128xi32, #tpu.memory_space<hbm>>)
        %dma_wait3A_267 = arith.constant 0 : i32
        %dma_wait3A_268 = tpu.memref_slice %arg7[%add3A_262, %dma_wait3A_267] : memref<160000x128xi32, #tpu.memory_space<hbm>> -> memref<104x128xi32, #tpu.memory_space<hbm>>
        %dma_wait3A_269 = arith.constant 0 : i32
        %dma_wait3A_270 = tpu.memref_slice %arg7[%add3A_262, %dma_wait3A_269] : memref<160000x128xi32, #tpu.memory_space<hbm>> -> memref<104x128xi32, #tpu.memory_space<hbm>>
        tpu.wait_dma2 semaphore(%arg32 : memref<!tpu.dma_semaphore, #tpu.memory_space<semaphore_mem>>) src(%arg17 : memref<104x128xi32, #tpu.memory_space<vmem>>) dst(%dma_wait3A_270 : memref<104x128xi32, #tpu.memory_space<hbm>>)
        %add3A_271 = arith.constant 1 : i32
        %add3A_272 = arith.addi %scan3A_116, %add3A_271 : i32
        %mul3A_273 = arith.constant 4 : i32
        %mul3A_274 = arith.muli %mul3A_273, %add3A_272 : i32
        %add3A_275 = arith.constant 3 : i32
        %add3A_276 = arith.addi %mul3A_274, %add3A_275 : i32
        %mul3A_277 = arith.constant 104 : i32
        %mul3A_278 = arith.muli %add3A_276, %mul3A_277 : i32
        %multiple_of3A_279 = tpu.assume_multiple %mul3A_278, 8 : i32
        %dma_start3A_280 = tpu.memref_slice %arg8[%multiple_of3A_279] : memref<5000xi32, #tpu.memory_space<vmem>> -> memref<104xi32, #tpu.memory_space<vmem>>
        %dma_start3A_281 = arith.constant 0 : i32
        %dma_start3A_282 = arith.constant 0 : i32
        %dma_start3A_283 = tpu.memref_slice %arg2[%dma_start3A_281, %dma_start3A_282] : memref<10000x128xi32, #tpu.memory_space<hbm>> -> memref<10000x128xi32, #tpu.memory_space<hbm>>
        tpu.enqueue_indirect_dma source(%dma_start3A_283 : memref<10000x128xi32, #tpu.memory_space<hbm>>) target(%arg16 : memref<104x128xi32, #tpu.memory_space<vmem>>) offsets(%dma_start3A_280 : memref<104xi32, #tpu.memory_space<vmem>>) semaphore(%arg27 : memref<!tpu.dma_semaphore, #tpu.memory_space<semaphore_mem>>)
        %dma_start3A_284 = tpu.memref_slice %arg9[%multiple_of3A_279] : memref<5000xi32, #tpu.memory_space<vmem>> -> memref<104xi32, #tpu.memory_space<vmem>>
        %dma_start3A_285 = arith.constant 0 : i32
        %dma_start3A_286 = arith.constant 0 : i32
        %dma_start3A_287 = tpu.memref_slice %arg3[%dma_start3A_285, %dma_start3A_286] : memref<10000x128xi32, #tpu.memory_space<hbm>> -> memref<10000x128xi32, #tpu.memory_space<hbm>>
        tpu.enqueue_indirect_dma source(%dma_start3A_287 : memref<10000x128xi32, #tpu.memory_space<hbm>>) target(%arg17 : memref<104x128xi32, #tpu.memory_space<vmem>>) offsets(%dma_start3A_284 : memref<104xi32, #tpu.memory_space<vmem>>) semaphore(%arg28 : memref<!tpu.dma_semaphore, #tpu.memory_space<semaphore_mem>>)
      } else {
      }
      %scan3A_255 = arith.constant 0 : i32
      scf.yield %scan3A_255 : i32
    }
    %scan3A_53 = arith.constant 12 : i32
    %add3A_54 = arith.constant 4576 : i32
    %add3A_55 = arith.addi %mul3A_2, %add3A_54 : i32
    %dma_wait3A_56 = arith.constant 0 : i32
    %dma_wait3A_57 = tpu.memref_slice %arg6[%add3A_55, %dma_wait3A_56] : memref<160000x128xi32, #tpu.memory_space<hbm>> -> memref<104x128xi32, #tpu.memory_space<hbm>>
    %dma_wait3A_58 = arith.constant 0 : i32
    %dma_wait3A_59 = tpu.memref_slice %arg6[%add3A_55, %dma_wait3A_58] : memref<160000x128xi32, #tpu.memory_space<hbm>> -> memref<104x128xi32, #tpu.memory_space<hbm>>
    tpu.wait_dma2 semaphore(%arg29 : memref<!tpu.dma_semaphore, #tpu.memory_space<semaphore_mem>>) src(%arg10 : memref<104x128xi32, #tpu.memory_space<vmem>>) dst(%dma_wait3A_59 : memref<104x128xi32, #tpu.memory_space<hbm>>)
    %dma_wait3A_60 = arith.constant 0 : i32
    %dma_wait3A_61 = tpu.memref_slice %arg7[%add3A_55, %dma_wait3A_60] : memref<160000x128xi32, #tpu.memory_space<hbm>> -> memref<104x128xi32, #tpu.memory_space<hbm>>
    %dma_wait3A_62 = arith.constant 0 : i32
    %dma_wait3A_63 = tpu.memref_slice %arg7[%add3A_55, %dma_wait3A_62] : memref<160000x128xi32, #tpu.memory_space<hbm>> -> memref<104x128xi32, #tpu.memory_space<hbm>>
    tpu.wait_dma2 semaphore(%arg29 : memref<!tpu.dma_semaphore, #tpu.memory_space<semaphore_mem>>) src(%arg11 : memref<104x128xi32, #tpu.memory_space<vmem>>) dst(%dma_wait3A_63 : memref<104x128xi32, #tpu.memory_space<hbm>>)
    %add3A_64 = arith.constant 4680 : i32
    %add3A_65 = arith.addi %mul3A_2, %add3A_64 : i32
    %dma_wait3A_66 = arith.constant 0 : i32
    %dma_wait3A_67 = tpu.memref_slice %arg6[%add3A_65, %dma_wait3A_66] : memref<160000x128xi32, #tpu.memory_space<hbm>> -> memref<104x128xi32, #tpu.memory_space<hbm>>
    %dma_wait3A_68 = arith.constant 0 : i32
    %dma_wait3A_69 = tpu.memref_slice %arg6[%add3A_65, %dma_wait3A_68] : memref<160000x128xi32, #tpu.memory_space<hbm>> -> memref<104x128xi32, #tpu.memory_space<hbm>>
    tpu.wait_dma2 semaphore(%arg30 : memref<!tpu.dma_semaphore, #tpu.memory_space<semaphore_mem>>) src(%arg12 : memref<104x128xi32, #tpu.memory_space<vmem>>) dst(%dma_wait3A_69 : memref<104x128xi32, #tpu.memory_space<hbm>>)
    %dma_wait3A_70 = arith.constant 0 : i32
    %dma_wait3A_71 = tpu.memref_slice %arg7[%add3A_65, %dma_wait3A_70] : memref<160000x128xi32, #tpu.memory_space<hbm>> -> memref<104x128xi32, #tpu.memory_space<hbm>>
    %dma_wait3A_72 = arith.constant 0 : i32
    %dma_wait3A_73 = tpu.memref_slice %arg7[%add3A_65, %dma_wait3A_72] : memref<160000x128xi32, #tpu.memory_space<hbm>> -> memref<104x128xi32, #tpu.memory_space<hbm>>
    tpu.wait_dma2 semaphore(%arg30 : memref<!tpu.dma_semaphore, #tpu.memory_space<semaphore_mem>>) src(%arg13 : memref<104x128xi32, #tpu.memory_space<vmem>>) dst(%dma_wait3A_73 : memref<104x128xi32, #tpu.memory_space<hbm>>)
    %add3A_74 = arith.constant 4784 : i32
    %add3A_75 = arith.addi %mul3A_2, %add3A_74 : i32
    %dma_wait3A_76 = arith.constant 0 : i32
    %dma_wait3A_77 = tpu.memref_slice %arg6[%add3A_75, %dma_wait3A_76] : memref<160000x128xi32, #tpu.memory_space<hbm>> -> memref<104x128xi32, #tpu.memory_space<hbm>>
    %dma_wait3A_78 = arith.constant 0 : i32
    %dma_wait3A_79 = tpu.memref_slice %arg6[%add3A_75, %dma_wait3A_78] : memref<160000x128xi32, #tpu.memory_space<hbm>> -> memref<104x128xi32, #tpu.memory_space<hbm>>
    tpu.wait_dma2 semaphore(%arg31 : memref<!tpu.dma_semaphore, #tpu.memory_space<semaphore_mem>>) src(%arg14 : memref<104x128xi32, #tpu.memory_space<vmem>>) dst(%dma_wait3A_79 : memref<104x128xi32, #tpu.memory_space<hbm>>)
    %dma_wait3A_80 = arith.constant 0 : i32
    %dma_wait3A_81 = tpu.memref_slice %arg7[%add3A_75, %dma_wait3A_80] : memref<160000x128xi32, #tpu.memory_space<hbm>> -> memref<104x128xi32, #tpu.memory_space<hbm>>
    %dma_wait3A_82 = arith.constant 0 : i32
    %dma_wait3A_83 = tpu.memref_slice %arg7[%add3A_75, %dma_wait3A_82] : memref<160000x128xi32, #tpu.memory_space<hbm>> -> memref<104x128xi32, #tpu.memory_space<hbm>>
    tpu.wait_dma2 semaphore(%arg31 : memref<!tpu.dma_semaphore, #tpu.memory_space<semaphore_mem>>) src(%arg15 : memref<104x128xi32, #tpu.memory_space<vmem>>) dst(%dma_wait3A_83 : memref<104x128xi32, #tpu.memory_space<hbm>>)
    %add3A_84 = arith.constant 4888 : i32
    %add3A_85 = arith.addi %mul3A_2, %add3A_84 : i32
    %dma_wait3A_86 = arith.constant 0 : i32
    %dma_wait3A_87 = tpu.memref_slice %arg6[%add3A_85, %dma_wait3A_86] : memref<160000x128xi32, #tpu.memory_space<hbm>> -> memref<104x128xi32, #tpu.memory_space<hbm>>
    %dma_wait3A_88 = arith.constant 0 : i32
    %dma_wait3A_89 = tpu.memref_slice %arg6[%add3A_85, %dma_wait3A_88] : memref<160000x128xi32, #tpu.memory_space<hbm>> -> memref<104x128xi32, #tpu.memory_space<hbm>>
    tpu.wait_dma2 semaphore(%arg32 : memref<!tpu.dma_semaphore, #tpu.memory_space<semaphore_mem>>) src(%arg16 : memref<104x128xi32, #tpu.memory_space<vmem>>) dst(%dma_wait3A_89 : memref<104x128xi32, #tpu.memory_space<hbm>>)
    %dma_wait3A_90 = arith.constant 0 : i32
    %dma_wait3A_91 = tpu.memref_slice %arg7[%add3A_85, %dma_wait3A_90] : memref<160000x128xi32, #tpu.memory_space<hbm>> -> memref<104x128xi32, #tpu.memory_space<hbm>>
    %dma_wait3A_92 = arith.constant 0 : i32
    %dma_wait3A_93 = tpu.memref_slice %arg7[%add3A_85, %dma_wait3A_92] : memref<160000x128xi32, #tpu.memory_space<hbm>> -> memref<104x128xi32, #tpu.memory_space<hbm>>
    tpu.wait_dma2 semaphore(%arg32 : memref<!tpu.dma_semaphore, #tpu.memory_space<semaphore_mem>>) src(%arg17 : memref<104x128xi32, #tpu.memory_space<vmem>>) dst(%dma_wait3A_93 : memref<104x128xi32, #tpu.memory_space<hbm>>)
    %add3A_94 = arith.constant 4992 : i32
    %add3A_95 = arith.addi %mul3A_2, %add3A_94 : i32
    %dma_start3A_96 = arith.constant 4992 : i32
    %dma_start3A_97 = tpu.memref_slice %arg8[%dma_start3A_96] : memref<5000xi32, #tpu.memory_space<vmem>> -> memref<8xi32, #tpu.memory_space<vmem>>
    %dma_start3A_98 = arith.constant 0 : i32
    %dma_start3A_99 = arith.constant 0 : i32
    %dma_start3A_100 = tpu.memref_slice %arg2[%dma_start3A_98, %dma_start3A_99] : memref<10000x128xi32, #tpu.memory_space<hbm>> -> memref<10000x128xi32, #tpu.memory_space<hbm>>
    tpu.enqueue_indirect_dma source(%dma_start3A_100 : memref<10000x128xi32, #tpu.memory_space<hbm>>) target(%arg18 : memref<8x128xi32, #tpu.memory_space<vmem>>) offsets(%dma_start3A_97 : memref<8xi32, #tpu.memory_space<vmem>>) semaphore(%arg21 : memref<!tpu.dma_semaphore, #tpu.memory_space<semaphore_mem>>)
    %dma_start3A_101 = arith.constant 4992 : i32
    %dma_start3A_102 = tpu.memref_slice %arg9[%dma_start3A_101] : memref<5000xi32, #tpu.memory_space<vmem>> -> memref<8xi32, #tpu.memory_space<vmem>>
    %dma_start3A_103 = arith.constant 0 : i32
    %dma_start3A_104 = arith.constant 0 : i32
    %dma_start3A_105 = tpu.memref_slice %arg3[%dma_start3A_103, %dma_start3A_104] : memref<10000x128xi32, #tpu.memory_space<hbm>> -> memref<10000x128xi32, #tpu.memory_space<hbm>>
    tpu.enqueue_indirect_dma source(%dma_start3A_105 : memref<10000x128xi32, #tpu.memory_space<hbm>>) target(%arg19 : memref<8x128xi32, #tpu.memory_space<vmem>>) offsets(%dma_start3A_102 : memref<8xi32, #tpu.memory_space<vmem>>) semaphore(%arg22 : memref<!tpu.dma_semaphore, #tpu.memory_space<semaphore_mem>>)
    %dma_wait3A_106 = arith.constant 4992 : i32
    %dma_wait3A_107 = tpu.memref_slice %arg8[%dma_wait3A_106] : memref<5000xi32, #tpu.memory_space<vmem>> -> memref<8xi32, #tpu.memory_space<vmem>>
    %dma_wait3A_108 = arith.constant 0 : i32
    %dma_wait3A_109 = arith.constant 0 : i32
    %dma_wait3A_110 = tpu.memref_slice %arg2[%dma_wait3A_108, %dma_wait3A_109] : memref<10000x128xi32, #tpu.memory_space<hbm>> -> memref<10000x128xi32, #tpu.memory_space<hbm>>
    tpu.wait_indirect_dma semaphore(%arg21 : memref<!tpu.dma_semaphore, #tpu.memory_space<semaphore_mem>>) src(%dma_wait3A_110 : memref<10000x128xi32, #tpu.memory_space<hbm>>) dst(%arg18 : memref<8x128xi32, #tpu.memory_space<vmem>>)
    %dma_wait3A_111 = arith.constant 4992 : i32
    %dma_wait3A_112 = tpu.memref_slice %arg9[%dma_wait3A_111] : memref<5000xi32, #tpu.memory_space<vmem>> -> memref<8xi32, #tpu.memory_space<vmem>>
    %dma_wait3A_113 = arith.constant 0 : i32
    %dma_wait3A_114 = arith.constant 0 : i32
    %dma_wait3A_115 = tpu.memref_slice %arg3[%dma_wait3A_113, %dma_wait3A_114] : memref<10000x128xi32, #tpu.memory_space<hbm>> -> memref<10000x128xi32, #tpu.memory_space<hbm>>
    tpu.wait_indirect_dma semaphore(%arg22 : memref<!tpu.dma_semaphore, #tpu.memory_space<semaphore_mem>>) src(%dma_wait3A_115 : memref<10000x128xi32, #tpu.memory_space<hbm>>) dst(%arg19 : memref<8x128xi32, #tpu.memory_space<vmem>>)
    "tpu.region"() ({
      %run_scoped3A = tpu.sem_alloc : memref<!tpu.dma_semaphore, #tpu.memory_space<semaphore_mem>>
      %dma_start3A_116 = arith.constant 0 : i32
      %dma_start3A_117 = tpu.memref_slice %arg6[%add3A_95, %dma_start3A_116] : memref<160000x128xi32, #tpu.memory_space<hbm>> -> memref<8x128xi32, #tpu.memory_space<hbm>>
      %dma_start3A_118 = arith.constant 0 : i32
      %dma_start3A_119 = tpu.memref_slice %arg6[%add3A_95, %dma_start3A_118] : memref<160000x128xi32, #tpu.memory_space<hbm>> -> memref<8x128xi32, #tpu.memory_space<hbm>>
      tpu.enqueue_dma source(%arg18 : memref<8x128xi32, #tpu.memory_space<vmem>>) target(%dma_start3A_119 : memref<8x128xi32, #tpu.memory_space<hbm>>) target_semaphore(%run_scoped3A : memref<!tpu.dma_semaphore, #tpu.memory_space<semaphore_mem>>)
      %dma_wait3A_120 = arith.constant 0 : i32
      %dma_wait3A_121 = tpu.memref_slice %arg6[%add3A_95, %dma_wait3A_120] : memref<160000x128xi32, #tpu.memory_space<hbm>> -> memref<8x128xi32, #tpu.memory_space<hbm>>
      %dma_wait3A_122 = arith.constant 0 : i32
      %dma_wait3A_123 = tpu.memref_slice %arg6[%add3A_95, %dma_wait3A_122] : memref<160000x128xi32, #tpu.memory_space<hbm>> -> memref<8x128xi32, #tpu.memory_space<hbm>>
      tpu.wait_dma2 semaphore(%run_scoped3A : memref<!tpu.dma_semaphore, #tpu.memory_space<semaphore_mem>>) src(%arg18 : memref<8x128xi32, #tpu.memory_space<vmem>>) dst(%dma_wait3A_123 : memref<8x128xi32, #tpu.memory_space<hbm>>)
      tpu.yield
    }) : () -> ()
    "tpu.region"() ({
      %run_scoped3A = tpu.sem_alloc : memref<!tpu.dma_semaphore, #tpu.memory_space<semaphore_mem>>
      %dma_start3A_116 = arith.constant 0 : i32
      %dma_start3A_117 = tpu.memref_slice %arg7[%add3A_95, %dma_start3A_116] : memref<160000x128xi32, #tpu.memory_space<hbm>> -> memref<8x128xi32, #tpu.memory_space<hbm>>
      %dma_start3A_118 = arith.constant 0 : i32
      %dma_start3A_119 = tpu.memref_slice %arg7[%add3A_95, %dma_start3A_118] : memref<160000x128xi32, #tpu.memory_space<hbm>> -> memref<8x128xi32, #tpu.memory_space<hbm>>
      tpu.enqueue_dma source(%arg19 : memref<8x128xi32, #tpu.memory_space<vmem>>) target(%dma_start3A_119 : memref<8x128xi32, #tpu.memory_space<hbm>>) target_semaphore(%run_scoped3A : memref<!tpu.dma_semaphore, #tpu.memory_space<semaphore_mem>>)
      %dma_wait3A_120 = arith.constant 0 : i32
      %dma_wait3A_121 = tpu.memref_slice %arg7[%add3A_95, %dma_wait3A_120] : memref<160000x128xi32, #tpu.memory_space<hbm>> -> memref<8x128xi32, #tpu.memory_space<hbm>>
      %dma_wait3A_122 = arith.constant 0 : i32
      %dma_wait3A_123 = tpu.memref_slice %arg7[%add3A_95, %dma_wait3A_122] : memref<160000x128xi32, #tpu.memory_space<hbm>> -> memref<8x128xi32, #tpu.memory_space<hbm>>
      tpu.wait_dma2 semaphore(%run_scoped3A : memref<!tpu.dma_semaphore, #tpu.memory_space<semaphore_mem>>) src(%arg19 : memref<8x128xi32, #tpu.memory_space<vmem>>) dst(%dma_wait3A_123 : memref<8x128xi32, #tpu.memory_space<hbm>>)
      tpu.yield
    }) : () -> ()
    return
  }
}

#map = affine_map<(d0, d1) -> (0, 0)>
#map1 = affine_map<(d0, d1) -> (0)>
#map2 = affine_map<(d0, d1) -> (0, 0, 0)>
module attributes {stable_mosaic.version = 14 : i64} {
  func.func @body(%arg0: i32, %arg1: i32, %arg2: memref<160000x256xf32, #tpu.memory_space<hbm>>, %arg3: memref<160000xi32, #tpu.memory_space<hbm>>, %arg4: memref<2x10000x128xf32, #tpu.memory_space<hbm>>, %arg5: memref<2x104xi32, #tpu.memory_space<vmem>>, %arg6: memref<104x128xf32, #tpu.memory_space<vmem>>, %arg7: memref<104x128xf32, #tpu.memory_space<vmem>>, %arg8: memref<16xi32, #tpu.memory_space<vmem>>, %arg9: memref<16x128xf32, #tpu.memory_space<vmem>>, %arg10: memref<104x128xf32, #tpu.memory_space<vmem>>, %arg11: memref<10000x128xf32, #tpu.memory_space<vmem_shared>>, %arg12: memref<!tpu.dma_semaphore, #tpu.memory_space<semaphore_mem>>, %arg13: memref<!tpu.dma_semaphore, #tpu.memory_space<semaphore_mem>>, %arg14: memref<!tpu.dma_semaphore, #tpu.memory_space<semaphore_mem>>, %arg15: memref<!tpu.dma_semaphore, #tpu.memory_space<semaphore_mem>>) attributes {dimension_semantics = [#tpu.dimension_semantics<core_parallel>, #tpu.dimension_semantics<subcore_parallel>], iteration_bounds = array<i64: 2, 16>, scalar_prefetch = 0 : i64, scratch_operands = 11 : i64, tpu.core_type = #tpu.core_type<sc_vector_subcore>, window_params = [{transform_indices = #map}, {transform_indices = #map1}, {transform_indices = #map2}]} {
    %scan3A = arith.constant 0 : i32
    %scan3A_0 = arith.constant 0 : i32
    %scan3A_1 = arith.constant 104 : i32
    %scan3A_2 = arith.addi %scan3A_0, %scan3A_1 : i32
    %scan3A_3 = arith.constant 1 : i32
    %scan3A_4 = scf.for %scan3A_89 = %scan3A_0 to %scan3A_2 step %scan3A_3 iter_args(%scan3A_90 = %scan3A) -> (i32)  : i32 {
      %broadcast_in_dim3A = arith.constant 0.000000e+00 : f32
      %broadcast_in_dim3A_91 = vector.broadcast %broadcast_in_dim3A : f32 to vector<16xf32>
      %swap3A = arith.index_cast %scan3A_89 : i32 to index
      %swap3A_92 = arith.constant 0 : index
      %swap3A_93 = tpu.vector_load %arg10[%swap3A, %swap3A_92] {strides = array<i32>} : memref<104x128xf32, #tpu.memory_space<vmem>>, vector<1x16xf32>,
      %swap3A_94 = vector.shape_cast %swap3A_93 : vector<1x16xf32> to vector<16xf32>
      %swap3A_95 = vector.shape_cast %broadcast_in_dim3A_91 : vector<16xf32> to vector<1x16xf32>
      tpu.vector_store %arg10[%swap3A, %swap3A_92], %swap3A_95 {strides = array<i32>} : memref<104x128xf32, #tpu.memory_space<vmem>>, vector<1x16xf32>,
      %broadcast_in_dim3A_96 = arith.constant 0.000000e+00 : f32
      %broadcast_in_dim3A_97 = vector.broadcast %broadcast_in_dim3A_96 : f32 to vector<16xf32>
      %swap3A_98 = arith.index_cast %scan3A_89 : i32 to index
      %swap3A_99 = arith.constant 16 : index
      %swap3A_100 = tpu.vector_load %arg10[%swap3A_98, %swap3A_99] {strides = array<i32>} : memref<104x128xf32, #tpu.memory_space<vmem>>, vector<1x16xf32>,
      %swap3A_101 = vector.shape_cast %swap3A_100 : vector<1x16xf32> to vector<16xf32>
      %swap3A_102 = vector.shape_cast %broadcast_in_dim3A_97 : vector<16xf32> to vector<1x16xf32>
      tpu.vector_store %arg10[%swap3A_98, %swap3A_99], %swap3A_102 {strides = array<i32>} : memref<104x128xf32, #tpu.memory_space<vmem>>, vector<1x16xf32>,
      %broadcast_in_dim3A_103 = arith.constant 0.000000e+00 : f32
      %broadcast_in_dim3A_104 = vector.broadcast %broadcast_in_dim3A_103 : f32 to vector<16xf32>
      %swap3A_105 = arith.index_cast %scan3A_89 : i32 to index
      %swap3A_106 = arith.constant 32 : index
      %swap3A_107 = tpu.vector_load %arg10[%swap3A_105, %swap3A_106] {strides = array<i32>} : memref<104x128xf32, #tpu.memory_space<vmem>>, vector<1x16xf32>,
      %swap3A_108 = vector.shape_cast %swap3A_107 : vector<1x16xf32> to vector<16xf32>
      %swap3A_109 = vector.shape_cast %broadcast_in_dim3A_104 : vector<16xf32> to vector<1x16xf32>
      tpu.vector_store %arg10[%swap3A_105, %swap3A_106], %swap3A_109 {strides = array<i32>} : memref<104x128xf32, #tpu.memory_space<vmem>>, vector<1x16xf32>,
      %broadcast_in_dim3A_110 = arith.constant 0.000000e+00 : f32
      %broadcast_in_dim3A_111 = vector.broadcast %broadcast_in_dim3A_110 : f32 to vector<16xf32>
      %swap3A_112 = arith.index_cast %scan3A_89 : i32 to index
      %swap3A_113 = arith.constant 48 : index
      %swap3A_114 = tpu.vector_load %arg10[%swap3A_112, %swap3A_113] {strides = array<i32>} : memref<104x128xf32, #tpu.memory_space<vmem>>, vector<1x16xf32>,
      %swap3A_115 = vector.shape_cast %swap3A_114 : vector<1x16xf32> to vector<16xf32>
      %swap3A_116 = vector.shape_cast %broadcast_in_dim3A_111 : vector<16xf32> to vector<1x16xf32>
      tpu.vector_store %arg10[%swap3A_112, %swap3A_113], %swap3A_116 {strides = array<i32>} : memref<104x128xf32, #tpu.memory_space<vmem>>, vector<1x16xf32>,
      %broadcast_in_dim3A_117 = arith.constant 0.000000e+00 : f32
      %broadcast_in_dim3A_118 = vector.broadcast %broadcast_in_dim3A_117 : f32 to vector<16xf32>
      %swap3A_119 = arith.index_cast %scan3A_89 : i32 to index
      %swap3A_120 = arith.constant 64 : index
      %swap3A_121 = tpu.vector_load %arg10[%swap3A_119, %swap3A_120] {strides = array<i32>} : memref<104x128xf32, #tpu.memory_space<vmem>>, vector<1x16xf32>,
      %swap3A_122 = vector.shape_cast %swap3A_121 : vector<1x16xf32> to vector<16xf32>
      %swap3A_123 = vector.shape_cast %broadcast_in_dim3A_118 : vector<16xf32> to vector<1x16xf32>
      tpu.vector_store %arg10[%swap3A_119, %swap3A_120], %swap3A_123 {strides = array<i32>} : memref<104x128xf32, #tpu.memory_space<vmem>>, vector<1x16xf32>,
      %broadcast_in_dim3A_124 = arith.constant 0.000000e+00 : f32
      %broadcast_in_dim3A_125 = vector.broadcast %broadcast_in_dim3A_124 : f32 to vector<16xf32>
      %swap3A_126 = arith.index_cast %scan3A_89 : i32 to index
      %swap3A_127 = arith.constant 80 : index
      %swap3A_128 = tpu.vector_load %arg10[%swap3A_126, %swap3A_127] {strides = array<i32>} : memref<104x128xf32, #tpu.memory_space<vmem>>, vector<1x16xf32>,
      %swap3A_129 = vector.shape_cast %swap3A_128 : vector<1x16xf32> to vector<16xf32>
      %swap3A_130 = vector.shape_cast %broadcast_in_dim3A_125 : vector<16xf32> to vector<1x16xf32>
      tpu.vector_store %arg10[%swap3A_126, %swap3A_127], %swap3A_130 {strides = array<i32>} : memref<104x128xf32, #tpu.memory_space<vmem>>, vector<1x16xf32>,
      %broadcast_in_dim3A_131 = arith.constant 0.000000e+00 : f32
      %broadcast_in_dim3A_132 = vector.broadcast %broadcast_in_dim3A_131 : f32 to vector<16xf32>
      %swap3A_133 = arith.index_cast %scan3A_89 : i32 to index
      %swap3A_134 = arith.constant 96 : index
      %swap3A_135 = tpu.vector_load %arg10[%swap3A_133, %swap3A_134] {strides = array<i32>} : memref<104x128xf32, #tpu.memory_space<vmem>>, vector<1x16xf32>,
      %swap3A_136 = vector.shape_cast %swap3A_135 : vector<1x16xf32> to vector<16xf32>
      %swap3A_137 = vector.shape_cast %broadcast_in_dim3A_132 : vector<16xf32> to vector<1x16xf32>
      tpu.vector_store %arg10[%swap3A_133, %swap3A_134], %swap3A_137 {strides = array<i32>} : memref<104x128xf32, #tpu.memory_space<vmem>>, vector<1x16xf32>,
      %broadcast_in_dim3A_138 = arith.constant 0.000000e+00 : f32
      %broadcast_in_dim3A_139 = vector.broadcast %broadcast_in_dim3A_138 : f32 to vector<16xf32>
      %swap3A_140 = arith.index_cast %scan3A_89 : i32 to index
      %swap3A_141 = arith.constant 112 : index
      %swap3A_142 = tpu.vector_load %arg10[%swap3A_140, %swap3A_141] {strides = array<i32>} : memref<104x128xf32, #tpu.memory_space<vmem>>, vector<1x16xf32>,
      %swap3A_143 = vector.shape_cast %swap3A_142 : vector<1x16xf32> to vector<16xf32>
      %swap3A_144 = vector.shape_cast %broadcast_in_dim3A_139 : vector<16xf32> to vector<1x16xf32>
      tpu.vector_store %arg10[%swap3A_140, %swap3A_141], %swap3A_144 {strides = array<i32>} : memref<104x128xf32, #tpu.memory_space<vmem>>, vector<1x16xf32>,
      %scan3A_145 = arith.constant 0 : i32
      scf.yield %scan3A_145 : i32
    }
    %scan3A_5 = arith.constant 104 : i32
    %mul3A = arith.constant 624 : i32
    %mul3A_6 = arith.muli %arg1, %mul3A : i32
    %add3A = arith.constant 0 : i32
    %add3A_7 = arith.addi %mul3A_6, %add3A : i32
    "tpu.region"() ({
      %run_scoped3A = tpu.sem_alloc : memref<!tpu.dma_semaphore, #tpu.memory_space<semaphore_mem>>
      %dma_start3A_89 = arith.constant 0 : i32
      %dma_start3A_90 = tpu.memref_slice %arg11[%add3A_7, %dma_start3A_89] : memref<10000x128xf32, #tpu.memory_space<vmem_shared>> -> memref<104x128xf32, #tpu.memory_space<vmem_shared>>
      %dma_start3A_91 = arith.constant 0 : i32
      %dma_start3A_92 = tpu.memref_slice %arg11[%add3A_7, %dma_start3A_91] : memref<10000x128xf32, #tpu.memory_space<vmem_shared>> -> memref<104x128xf32, #tpu.memory_space<vmem_shared>>
      tpu.enqueue_dma source(%arg10 : memref<104x128xf32, #tpu.memory_space<vmem>>) target(%dma_start3A_92 : memref<104x128xf32, #tpu.memory_space<vmem_shared>>) target_semaphore(%run_scoped3A : memref<!tpu.dma_semaphore, #tpu.memory_space<semaphore_mem>>)
      %dma_wait3A_93 = arith.constant 0 : i32
      %dma_wait3A_94 = tpu.memref_slice %arg11[%add3A_7, %dma_wait3A_93] : memref<10000x128xf32, #tpu.memory_space<vmem_shared>> -> memref<104x128xf32, #tpu.memory_space<vmem_shared>>
      %dma_wait3A_95 = arith.constant 0 : i32
      %dma_wait3A_96 = tpu.memref_slice %arg11[%add3A_7, %dma_wait3A_95] : memref<10000x128xf32, #tpu.memory_space<vmem_shared>> -> memref<104x128xf32, #tpu.memory_space<vmem_shared>>
      tpu.wait_dma2 semaphore(%run_scoped3A : memref<!tpu.dma_semaphore, #tpu.memory_space<semaphore_mem>>) src(%arg10 : memref<104x128xf32, #tpu.memory_space<vmem>>) dst(%dma_wait3A_96 : memref<104x128xf32, #tpu.memory_space<vmem_shared>>)
      tpu.yield
    }) : () -> ()
    %mul3A_8 = arith.constant 624 : i32
    %mul3A_9 = arith.muli %arg1, %mul3A_8 : i32
    %add3A_10 = arith.constant 104 : i32
    %add3A_11 = arith.addi %mul3A_9, %add3A_10 : i32
    "tpu.region"() ({
      %run_scoped3A = tpu.sem_alloc : memref<!tpu.dma_semaphore, #tpu.memory_space<semaphore_mem>>
      %dma_start3A_89 = arith.constant 0 : i32
      %dma_start3A_90 = tpu.memref_slice %arg11[%add3A_11, %dma_start3A_89] : memref<10000x128xf32, #tpu.memory_space<vmem_shared>> -> memref<104x128xf32, #tpu.memory_space<vmem_shared>>
      %dma_start3A_91 = arith.constant 0 : i32
      %dma_start3A_92 = tpu.memref_slice %arg11[%add3A_11, %dma_start3A_91] : memref<10000x128xf32, #tpu.memory_space<vmem_shared>> -> memref<104x128xf32, #tpu.memory_space<vmem_shared>>
      tpu.enqueue_dma source(%arg10 : memref<104x128xf32, #tpu.memory_space<vmem>>) target(%dma_start3A_92 : memref<104x128xf32, #tpu.memory_space<vmem_shared>>) target_semaphore(%run_scoped3A : memref<!tpu.dma_semaphore, #tpu.memory_space<semaphore_mem>>)
      %dma_wait3A_93 = arith.constant 0 : i32
      %dma_wait3A_94 = tpu.memref_slice %arg11[%add3A_11, %dma_wait3A_93] : memref<10000x128xf32, #tpu.memory_space<vmem_shared>> -> memref<104x128xf32, #tpu.memory_space<vmem_shared>>
      %dma_wait3A_95 = arith.constant 0 : i32
      %dma_wait3A_96 = tpu.memref_slice %arg11[%add3A_11, %dma_wait3A_95] : memref<10000x128xf32, #tpu.memory_space<vmem_shared>> -> memref<104x128xf32, #tpu.memory_space<vmem_shared>>
      tpu.wait_dma2 semaphore(%run_scoped3A : memref<!tpu.dma_semaphore, #tpu.memory_space<semaphore_mem>>) src(%arg10 : memref<104x128xf32, #tpu.memory_space<vmem>>) dst(%dma_wait3A_96 : memref<104x128xf32, #tpu.memory_space<vmem_shared>>)
      tpu.yield
    }) : () -> ()
    %mul3A_12 = arith.constant 624 : i32
    %mul3A_13 = arith.muli %arg1, %mul3A_12 : i32
    %add3A_14 = arith.constant 208 : i32
    %add3A_15 = arith.addi %mul3A_13, %add3A_14 : i32
    "tpu.region"() ({
      %run_scoped3A = tpu.sem_alloc : memref<!tpu.dma_semaphore, #tpu.memory_space<semaphore_mem>>
      %dma_start3A_89 = arith.constant 0 : i32
      %dma_start3A_90 = tpu.memref_slice %arg11[%add3A_15, %dma_start3A_89] : memref<10000x128xf32, #tpu.memory_space<vmem_shared>> -> memref<104x128xf32, #tpu.memory_space<vmem_shared>>
      %dma_start3A_91 = arith.constant 0 : i32
      %dma_start3A_92 = tpu.memref_slice %arg11[%add3A_15, %dma_start3A_91] : memref<10000x128xf32, #tpu.memory_space<vmem_shared>> -> memref<104x128xf32, #tpu.memory_space<vmem_shared>>
      tpu.enqueue_dma source(%arg10 : memref<104x128xf32, #tpu.memory_space<vmem>>) target(%dma_start3A_92 : memref<104x128xf32, #tpu.memory_space<vmem_shared>>) target_semaphore(%run_scoped3A : memref<!tpu.dma_semaphore, #tpu.memory_space<semaphore_mem>>)
      %dma_wait3A_93 = arith.constant 0 : i32
      %dma_wait3A_94 = tpu.memref_slice %arg11[%add3A_15, %dma_wait3A_93] : memref<10000x128xf32, #tpu.memory_space<vmem_shared>> -> memref<104x128xf32, #tpu.memory_space<vmem_shared>>
      %dma_wait3A_95 = arith.constant 0 : i32
      %dma_wait3A_96 = tpu.memref_slice %arg11[%add3A_15, %dma_wait3A_95] : memref<10000x128xf32, #tpu.memory_space<vmem_shared>> -> memref<104x128xf32, #tpu.memory_space<vmem_shared>>
      tpu.wait_dma2 semaphore(%run_scoped3A : memref<!tpu.dma_semaphore, #tpu.memory_space<semaphore_mem>>) src(%arg10 : memref<104x128xf32, #tpu.memory_space<vmem>>) dst(%dma_wait3A_96 : memref<104x128xf32, #tpu.memory_space<vmem_shared>>)
      tpu.yield
    }) : () -> ()
    %mul3A_16 = arith.constant 624 : i32
    %mul3A_17 = arith.muli %arg1, %mul3A_16 : i32
    %add3A_18 = arith.constant 312 : i32
    %add3A_19 = arith.addi %mul3A_17, %add3A_18 : i32
    "tpu.region"() ({
      %run_scoped3A = tpu.sem_alloc : memref<!tpu.dma_semaphore, #tpu.memory_space<semaphore_mem>>
      %dma_start3A_89 = arith.constant 0 : i32
      %dma_start3A_90 = tpu.memref_slice %arg11[%add3A_19, %dma_start3A_89] : memref<10000x128xf32, #tpu.memory_space<vmem_shared>> -> memref<104x128xf32, #tpu.memory_space<vmem_shared>>
      %dma_start3A_91 = arith.constant 0 : i32
      %dma_start3A_92 = tpu.memref_slice %arg11[%add3A_19, %dma_start3A_91] : memref<10000x128xf32, #tpu.memory_space<vmem_shared>> -> memref<104x128xf32, #tpu.memory_space<vmem_shared>>
      tpu.enqueue_dma source(%arg10 : memref<104x128xf32, #tpu.memory_space<vmem>>) target(%dma_start3A_92 : memref<104x128xf32, #tpu.memory_space<vmem_shared>>) target_semaphore(%run_scoped3A : memref<!tpu.dma_semaphore, #tpu.memory_space<semaphore_mem>>)
      %dma_wait3A_93 = arith.constant 0 : i32
      %dma_wait3A_94 = tpu.memref_slice %arg11[%add3A_19, %dma_wait3A_93] : memref<10000x128xf32, #tpu.memory_space<vmem_shared>> -> memref<104x128xf32, #tpu.memory_space<vmem_shared>>
      %dma_wait3A_95 = arith.constant 0 : i32
      %dma_wait3A_96 = tpu.memref_slice %arg11[%add3A_19, %dma_wait3A_95] : memref<10000x128xf32, #tpu.memory_space<vmem_shared>> -> memref<104x128xf32, #tpu.memory_space<vmem_shared>>
      tpu.wait_dma2 semaphore(%run_scoped3A : memref<!tpu.dma_semaphore, #tpu.memory_space<semaphore_mem>>) src(%arg10 : memref<104x128xf32, #tpu.memory_space<vmem>>) dst(%dma_wait3A_96 : memref<104x128xf32, #tpu.memory_space<vmem_shared>>)
      tpu.yield
    }) : () -> ()
    %mul3A_20 = arith.constant 624 : i32
    %mul3A_21 = arith.muli %arg1, %mul3A_20 : i32
    %add3A_22 = arith.constant 416 : i32
    %add3A_23 = arith.addi %mul3A_21, %add3A_22 : i32
    "tpu.region"() ({
      %run_scoped3A = tpu.sem_alloc : memref<!tpu.dma_semaphore, #tpu.memory_space<semaphore_mem>>
      %dma_start3A_89 = arith.constant 0 : i32
      %dma_start3A_90 = tpu.memref_slice %arg11[%add3A_23, %dma_start3A_89] : memref<10000x128xf32, #tpu.memory_space<vmem_shared>> -> memref<104x128xf32, #tpu.memory_space<vmem_shared>>
      %dma_start3A_91 = arith.constant 0 : i32
      %dma_start3A_92 = tpu.memref_slice %arg11[%add3A_23, %dma_start3A_91] : memref<10000x128xf32, #tpu.memory_space<vmem_shared>> -> memref<104x128xf32, #tpu.memory_space<vmem_shared>>
      tpu.enqueue_dma source(%arg10 : memref<104x128xf32, #tpu.memory_space<vmem>>) target(%dma_start3A_92 : memref<104x128xf32, #tpu.memory_space<vmem_shared>>) target_semaphore(%run_scoped3A : memref<!tpu.dma_semaphore, #tpu.memory_space<semaphore_mem>>)
      %dma_wait3A_93 = arith.constant 0 : i32
      %dma_wait3A_94 = tpu.memref_slice %arg11[%add3A_23, %dma_wait3A_93] : memref<10000x128xf32, #tpu.memory_space<vmem_shared>> -> memref<104x128xf32, #tpu.memory_space<vmem_shared>>
      %dma_wait3A_95 = arith.constant 0 : i32
      %dma_wait3A_96 = tpu.memref_slice %arg11[%add3A_23, %dma_wait3A_95] : memref<10000x128xf32, #tpu.memory_space<vmem_shared>> -> memref<104x128xf32, #tpu.memory_space<vmem_shared>>
      tpu.wait_dma2 semaphore(%run_scoped3A : memref<!tpu.dma_semaphore, #tpu.memory_space<semaphore_mem>>) src(%arg10 : memref<104x128xf32, #tpu.memory_space<vmem>>) dst(%dma_wait3A_96 : memref<104x128xf32, #tpu.memory_space<vmem_shared>>)
      tpu.yield
    }) : () -> ()
    %mul3A_24 = arith.constant 624 : i32
    %mul3A_25 = arith.muli %arg1, %mul3A_24 : i32
    %add3A_26 = arith.constant 520 : i32
    %add3A_27 = arith.addi %mul3A_25, %add3A_26 : i32
    "tpu.region"() ({
      %run_scoped3A = tpu.sem_alloc : memref<!tpu.dma_semaphore, #tpu.memory_space<semaphore_mem>>
      %dma_start3A_89 = arith.constant 0 : i32
      %dma_start3A_90 = tpu.memref_slice %arg11[%add3A_27, %dma_start3A_89] : memref<10000x128xf32, #tpu.memory_space<vmem_shared>> -> memref<104x128xf32, #tpu.memory_space<vmem_shared>>
      %dma_start3A_91 = arith.constant 0 : i32
      %dma_start3A_92 = tpu.memref_slice %arg11[%add3A_27, %dma_start3A_91] : memref<10000x128xf32, #tpu.memory_space<vmem_shared>> -> memref<104x128xf32, #tpu.memory_space<vmem_shared>>
      tpu.enqueue_dma source(%arg10 : memref<104x128xf32, #tpu.memory_space<vmem>>) target(%dma_start3A_92 : memref<104x128xf32, #tpu.memory_space<vmem_shared>>) target_semaphore(%run_scoped3A : memref<!tpu.dma_semaphore, #tpu.memory_space<semaphore_mem>>)
      %dma_wait3A_93 = arith.constant 0 : i32
      %dma_wait3A_94 = tpu.memref_slice %arg11[%add3A_27, %dma_wait3A_93] : memref<10000x128xf32, #tpu.memory_space<vmem_shared>> -> memref<104x128xf32, #tpu.memory_space<vmem_shared>>
      %dma_wait3A_95 = arith.constant 0 : i32
      %dma_wait3A_96 = tpu.memref_slice %arg11[%add3A_27, %dma_wait3A_95] : memref<10000x128xf32, #tpu.memory_space<vmem_shared>> -> memref<104x128xf32, #tpu.memory_space<vmem_shared>>
      tpu.wait_dma2 semaphore(%run_scoped3A : memref<!tpu.dma_semaphore, #tpu.memory_space<semaphore_mem>>) src(%arg10 : memref<104x128xf32, #tpu.memory_space<vmem>>) dst(%dma_wait3A_96 : memref<104x128xf32, #tpu.memory_space<vmem_shared>>)
      tpu.yield
    }) : () -> ()
    %eq3A = arith.constant 15 : i32
    %eq3A_28 = arith.cmpi eq, %arg1, %eq3A : i32
    %convert_element_type3A = arith.extui %eq3A_28 : i1 to i32
    %cond3A = arith.constant 0 : i32
    %cond3A_29 = arith.cmpi ne, %convert_element_type3A, %cond3A : i32
    scf.if %cond3A_29 {
      "tpu.region"() ({
        %run_scoped3A = tpu.sem_alloc : memref<!tpu.dma_semaphore, #tpu.memory_space<semaphore_mem>>
        %dma_start3A_89 = arith.constant 0 : i32
        %dma_start3A_90 = arith.constant 0 : i32
        %dma_start3A_91 = tpu.memref_slice %arg10[%dma_start3A_89, %dma_start3A_90] : memref<104x128xf32, #tpu.memory_space<vmem>> -> memref<16x128xf32, #tpu.memory_space<vmem>>
        %dma_start3A_92 = arith.constant 9984 : i32
        %dma_start3A_93 = arith.constant 0 : i32
        %dma_start3A_94 = tpu.memref_slice %arg11[%dma_start3A_92, %dma_start3A_93] : memref<10000x128xf32, #tpu.memory_space<vmem_shared>> -> memref<16x128xf32, #tpu.memory_space<vmem_shared>>
        %dma_start3A_95 = arith.constant 9984 : i32
        %dma_start3A_96 = arith.constant 0 : i32
        %dma_start3A_97 = tpu.memref_slice %arg11[%dma_start3A_95, %dma_start3A_96] : memref<10000x128xf32, #tpu.memory_space<vmem_shared>> -> memref<16x128xf32, #tpu.memory_space<vmem_shared>>
        %dma_start3A_98 = arith.constant 0 : i32
        %dma_start3A_99 = arith.constant 0 : i32
        %dma_start3A_100 = tpu.memref_slice %arg10[%dma_start3A_98, %dma_start3A_99] : memref<104x128xf32, #tpu.memory_space<vmem>> -> memref<16x128xf32, #tpu.memory_space<vmem>>
        tpu.enqueue_dma source(%dma_start3A_100 : memref<16x128xf32, #tpu.memory_space<vmem>>) target(%dma_start3A_97 : memref<16x128xf32, #tpu.memory_space<vmem_shared>>) target_semaphore(%run_scoped3A : memref<!tpu.dma_semaphore, #tpu.memory_space<semaphore_mem>>)
        %dma_wait3A_101 = arith.constant 0 : i32
        %dma_wait3A_102 = arith.constant 0 : i32
        %dma_wait3A_103 = tpu.memref_slice %arg10[%dma_wait3A_101, %dma_wait3A_102] : memref<104x128xf32, #tpu.memory_space<vmem>> -> memref<16x128xf32, #tpu.memory_space<vmem>>
        %dma_wait3A_104 = arith.constant 9984 : i32
        %dma_wait3A_105 = arith.constant 0 : i32
        %dma_wait3A_106 = tpu.memref_slice %arg11[%dma_wait3A_104, %dma_wait3A_105] : memref<10000x128xf32, #tpu.memory_space<vmem_shared>> -> memref<16x128xf32, #tpu.memory_space<vmem_shared>>
        %dma_wait3A_107 = arith.constant 9984 : i32
        %dma_wait3A_108 = arith.constant 0 : i32
        %dma_wait3A_109 = tpu.memref_slice %arg11[%dma_wait3A_107, %dma_wait3A_108] : memref<10000x128xf32, #tpu.memory_space<vmem_shared>> -> memref<16x128xf32, #tpu.memory_space<vmem_shared>>
        %dma_wait3A_110 = arith.constant 0 : i32
        %dma_wait3A_111 = arith.constant 0 : i32
        %dma_wait3A_112 = tpu.memref_slice %arg10[%dma_wait3A_110, %dma_wait3A_111] : memref<104x128xf32, #tpu.memory_space<vmem>> -> memref<16x128xf32, #tpu.memory_space<vmem>>
        tpu.wait_dma2 semaphore(%run_scoped3A : memref<!tpu.dma_semaphore, #tpu.memory_space<semaphore_mem>>) src(%dma_wait3A_112 : memref<16x128xf32, #tpu.memory_space<vmem>>) dst(%dma_wait3A_109 : memref<16x128xf32, #tpu.memory_space<vmem_shared>>)
        tpu.yield
      }) : () -> ()
    } else {
    }
    %barrier3A = arith.constant 0 : index
    tpu.barrier barrier_id(%barrier3A)
    %mul3A_30 = arith.constant 10000 : i32
    %mul3A_31 = arith.muli %arg1, %mul3A_30 : i32
    %mul3A_32 = arith.constant 128 : i32
    %mul3A_33 = arith.muli %arg0, %mul3A_32 : i32
    %add3A_34 = arith.constant 0 : i32
    %add3A_35 = arith.addi %mul3A_31, %add3A_34 : i32
    %dma_start3A = arith.constant 0 : i32
    %dma_start3A_36 = arith.constant 0 : i32
    %dma_start3A_37 = tpu.memref_slice %arg5[%dma_start3A, %dma_start3A_36] : memref<2x104xi32, #tpu.memory_space<vmem>> -> memref<1x104xi32, #tpu.memory_space<vmem>>
    %dma_start3A_38 = tpu.memref_squeeze %dma_start3A_37 : memref<1x104xi32, #tpu.memory_space<vmem>> -> memref<104xi32, #tpu.memory_space<vmem>>
    %dma_start3A_39 = tpu.memref_slice %arg3[%add3A_35] : memref<160000xi32, #tpu.memory_space<hbm>> -> memref<104xi32, #tpu.memory_space<hbm>>
    %dma_start3A_40 = arith.constant 0 : i32
    %dma_start3A_41 = tpu.memref_slice %arg5[%dma_start3A, %dma_start3A_40] : memref<2x104xi32, #tpu.memory_space<vmem>> -> memref<1x104xi32, #tpu.memory_space<vmem>>
    %dma_start3A_42 = tpu.memref_squeeze %dma_start3A_41 : memref<1x104xi32, #tpu.memory_space<vmem>> -> memref<104xi32, #tpu.memory_space<vmem>>
    %dma_start3A_43 = tpu.memref_slice %arg3[%add3A_35] : memref<160000xi32, #tpu.memory_space<hbm>> -> memref<104xi32, #tpu.memory_space<hbm>>
    tpu.enqueue_dma source(%dma_start3A_43 : memref<104xi32, #tpu.memory_space<hbm>>) target(%dma_start3A_42 : memref<104xi32, #tpu.memory_space<vmem>>) target_semaphore(%arg12 : memref<!tpu.dma_semaphore, #tpu.memory_space<semaphore_mem>>)
    %dma_start3A_44 = tpu.memref_slice %arg2[%add3A_35, %mul3A_33] : memref<160000x256xf32, #tpu.memory_space<hbm>> -> memref<104x128xf32, #tpu.memory_space<hbm>>
    %dma_start3A_45 = tpu.memref_slice %arg2[%add3A_35, %mul3A_33] : memref<160000x256xf32, #tpu.memory_space<hbm>> -> memref<104x128xf32, #tpu.memory_space<hbm>>
    tpu.enqueue_dma source(%dma_start3A_45 : memref<104x128xf32, #tpu.memory_space<hbm>>) target(%arg6 : memref<104x128xf32, #tpu.memory_space<vmem>>) target_semaphore(%arg12 : memref<!tpu.dma_semaphore, #tpu.memory_space<semaphore_mem>>)
    %add3A_46 = arith.constant 104 : i32
    %add3A_47 = arith.addi %mul3A_31, %add3A_46 : i32
    %dma_start3A_48 = arith.constant 1 : i32
    %dma_start3A_49 = arith.constant 0 : i32
    %dma_start3A_50 = tpu.memref_slice %arg5[%dma_start3A_48, %dma_start3A_49] : memref<2x104xi32, #tpu.memory_space<vmem>> -> memref<1x104xi32, #tpu.memory_space<vmem>>
    %dma_start3A_51 = tpu.memref_squeeze %dma_start3A_50 : memref<1x104xi32, #tpu.memory_space<vmem>> -> memref<104xi32, #tpu.memory_space<vmem>>
    %dma_start3A_52 = tpu.memref_slice %arg3[%add3A_47] : memref<160000xi32, #tpu.memory_space<hbm>> -> memref<104xi32, #tpu.memory_space<hbm>>
    %dma_start3A_53 = arith.constant 0 : i32
    %dma_start3A_54 = tpu.memref_slice %arg5[%dma_start3A_48, %dma_start3A_53] : memref<2x104xi32, #tpu.memory_space<vmem>> -> memref<1x104xi32, #tpu.memory_space<vmem>>
    %dma_start3A_55 = tpu.memref_squeeze %dma_start3A_54 : memref<1x104xi32, #tpu.memory_space<vmem>> -> memref<104xi32, #tpu.memory_space<vmem>>
    %dma_start3A_56 = tpu.memref_slice %arg3[%add3A_47] : memref<160000xi32, #tpu.memory_space<hbm>> -> memref<104xi32, #tpu.memory_space<hbm>>
    tpu.enqueue_dma source(%dma_start3A_56 : memref<104xi32, #tpu.memory_space<hbm>>) target(%dma_start3A_55 : memref<104xi32, #tpu.memory_space<vmem>>) target_semaphore(%arg13 : memref<!tpu.dma_semaphore, #tpu.memory_space<semaphore_mem>>)
    %dma_start3A_57 = tpu.memref_slice %arg2[%add3A_47, %mul3A_33] : memref<160000x256xf32, #tpu.memory_space<hbm>> -> memref<104x128xf32, #tpu.memory_space<hbm>>
    %dma_start3A_58 = tpu.memref_slice %arg2[%add3A_47, %mul3A_33] : memref<160000x256xf32, #tpu.memory_space<hbm>> -> memref<104x128xf32, #tpu.memory_space<hbm>>
    tpu.enqueue_dma source(%dma_start3A_58 : memref<104x128xf32, #tpu.memory_space<hbm>>) target(%arg7 : memref<104x128xf32, #tpu.memory_space<vmem>>) target_semaphore(%arg13 : memref<!tpu.dma_semaphore, #tpu.memory_space<semaphore_mem>>)
    %scan3A_59 = arith.constant 0 : i32
    %scan3A_60 = arith.constant 0 : i32
    %scan3A_61 = arith.constant 48 : i32
    %scan3A_62 = arith.addi %scan3A_60, %scan3A_61 : i32
    %scan3A_63 = arith.constant 1 : i32
    %scan3A_64 = scf.for %scan3A_89 = %scan3A_60 to %scan3A_62 step %scan3A_63 iter_args(%scan3A_90 = %scan3A_59) -> (i32)  : i32 {
      %mul3A_91 = arith.constant 2 : i32
      %mul3A_92 = arith.muli %mul3A_91, %scan3A_89 : i32
      %mul3A_93 = arith.constant 104 : i32
      %mul3A_94 = arith.muli %mul3A_92, %mul3A_93 : i32
      %add3A_95 = arith.addi %mul3A_31, %mul3A_94 : i32
      %dma_wait3A_96 = arith.constant 0 : i32
      %dma_wait3A_97 = arith.constant 0 : i32
      %dma_wait3A_98 = tpu.memref_slice %arg5[%dma_wait3A_96, %dma_wait3A_97] : memref<2x104xi32, #tpu.memory_space<vmem>> -> memref<1x104xi32, #tpu.memory_space<vmem>>
      %dma_wait3A_99 = tpu.memref_squeeze %dma_wait3A_98 : memref<1x104xi32, #tpu.memory_space<vmem>> -> memref<104xi32, #tpu.memory_space<vmem>>
      %dma_wait3A_100 = tpu.memref_slice %arg3[%add3A_95] : memref<160000xi32, #tpu.memory_space<hbm>> -> memref<104xi32, #tpu.memory_space<hbm>>
      %dma_wait3A_101 = arith.constant 0 : i32
      %dma_wait3A_102 = tpu.memref_slice %arg5[%dma_wait3A_96, %dma_wait3A_101] : memref<2x104xi32, #tpu.memory_space<vmem>> -> memref<1x104xi32, #tpu.memory_space<vmem>>
      %dma_wait3A_103 = tpu.memref_squeeze %dma_wait3A_102 : memref<1x104xi32, #tpu.memory_space<vmem>> -> memref<104xi32, #tpu.memory_space<vmem>>
      %dma_wait3A_104 = tpu.memref_slice %arg3[%add3A_95] : memref<160000xi32, #tpu.memory_space<hbm>> -> memref<104xi32, #tpu.memory_space<hbm>>
      tpu.wait_dma2 semaphore(%arg12 : memref<!tpu.dma_semaphore, #tpu.memory_space<semaphore_mem>>) src(%dma_wait3A_104 : memref<104xi32, #tpu.memory_space<hbm>>) dst(%dma_wait3A_103 : memref<104xi32, #tpu.memory_space<vmem>>)
      %dma_wait3A_105 = tpu.memref_slice %arg2[%add3A_95, %mul3A_33] : memref<160000x256xf32, #tpu.memory_space<hbm>> -> memref<104x128xf32, #tpu.memory_space<hbm>>
      %dma_wait3A_106 = tpu.memref_slice %arg2[%add3A_95, %mul3A_33] : memref<160000x256xf32, #tpu.memory_space<hbm>> -> memref<104x128xf32, #tpu.memory_space<hbm>>
      tpu.wait_dma2 semaphore(%arg12 : memref<!tpu.dma_semaphore, #tpu.memory_space<semaphore_mem>>) src(%dma_wait3A_106 : memref<104x128xf32, #tpu.memory_space<hbm>>) dst(%arg6 : memref<104x128xf32, #tpu.memory_space<vmem>>)
      %dma_start3A_107 = arith.constant 0 : i32
      %dma_start3A_108 = arith.constant 0 : i32
      %dma_start3A_109 = tpu.memref_slice %arg5[%dma_start3A_107, %dma_start3A_108] : memref<2x104xi32, #tpu.memory_space<vmem>> -> memref<1x104xi32, #tpu.memory_space<vmem>>
      %dma_start3A_110 = tpu.memref_squeeze %dma_start3A_109 : memref<1x104xi32, #tpu.memory_space<vmem>> -> memref<104xi32, #tpu.memory_space<vmem>>
      %dma_start3A_111 = arith.constant 0 : i32
      %dma_start3A_112 = arith.constant 0 : i32
      %dma_start3A_113 = tpu.memref_slice %arg11[%dma_start3A_111, %dma_start3A_112] : memref<10000x128xf32, #tpu.memory_space<vmem_shared>> -> memref<10000x128xf32, #tpu.memory_space<vmem_shared>>
      tpu.enqueue_indirect_dma source(%arg6 : memref<104x128xf32, #tpu.memory_space<vmem>>) target(%dma_start3A_113 : memref<10000x128xf32, #tpu.memory_space<vmem_shared>>) offsets(%dma_start3A_110 : memref<104xi32, #tpu.memory_space<vmem>>) semaphore(%arg14 : memref<!tpu.dma_semaphore, #tpu.memory_space<semaphore_mem>>) {add = true}
      %mul3A_114 = arith.constant 2 : i32
      %mul3A_115 = arith.muli %mul3A_114, %scan3A_89 : i32
      %add3A_116 = arith.constant 1 : i32
      %add3A_117 = arith.addi %mul3A_115, %add3A_116 : i32
      %mul3A_118 = arith.constant 104 : i32
      %mul3A_119 = arith.muli %add3A_117, %mul3A_118 : i32
      %add3A_120 = arith.addi %mul3A_31, %mul3A_119 : i32
      %dma_wait3A_121 = arith.constant 1 : i32
      %dma_wait3A_122 = arith.constant 0 : i32
      %dma_wait3A_123 = tpu.memref_slice %arg5[%dma_wait3A_121, %dma_wait3A_122] : memref<2x104xi32, #tpu.memory_space<vmem>> -> memref<1x104xi32, #tpu.memory_space<vmem>>
      %dma_wait3A_124 = tpu.memref_squeeze %dma_wait3A_123 : memref<1x104xi32, #tpu.memory_space<vmem>> -> memref<104xi32, #tpu.memory_space<vmem>>
      %dma_wait3A_125 = tpu.memref_slice %arg3[%add3A_120] : memref<160000xi32, #tpu.memory_space<hbm>> -> memref<104xi32, #tpu.memory_space<hbm>>
      %dma_wait3A_126 = arith.constant 0 : i32
      %dma_wait3A_127 = tpu.memref_slice %arg5[%dma_wait3A_121, %dma_wait3A_126] : memref<2x104xi32, #tpu.memory_space<vmem>> -> memref<1x104xi32, #tpu.memory_space<vmem>>
      %dma_wait3A_128 = tpu.memref_squeeze %dma_wait3A_127 : memref<1x104xi32, #tpu.memory_space<vmem>> -> memref<104xi32, #tpu.memory_space<vmem>>
      %dma_wait3A_129 = tpu.memref_slice %arg3[%add3A_120] : memref<160000xi32, #tpu.memory_space<hbm>> -> memref<104xi32, #tpu.memory_space<hbm>>
      tpu.wait_dma2 semaphore(%arg13 : memref<!tpu.dma_semaphore, #tpu.memory_space<semaphore_mem>>) src(%dma_wait3A_129 : memref<104xi32, #tpu.memory_space<hbm>>) dst(%dma_wait3A_128 : memref<104xi32, #tpu.memory_space<vmem>>)
      %dma_wait3A_130 = tpu.memref_slice %arg2[%add3A_120, %mul3A_33] : memref<160000x256xf32, #tpu.memory_space<hbm>> -> memref<104x128xf32, #tpu.memory_space<hbm>>
      %dma_wait3A_131 = tpu.memref_slice %arg2[%add3A_120, %mul3A_33] : memref<160000x256xf32, #tpu.memory_space<hbm>> -> memref<104x128xf32, #tpu.memory_space<hbm>>
      tpu.wait_dma2 semaphore(%arg13 : memref<!tpu.dma_semaphore, #tpu.memory_space<semaphore_mem>>) src(%dma_wait3A_131 : memref<104x128xf32, #tpu.memory_space<hbm>>) dst(%arg7 : memref<104x128xf32, #tpu.memory_space<vmem>>)
      %dma_start3A_132 = arith.constant 1 : i32
      %dma_start3A_133 = arith.constant 0 : i32
      %dma_start3A_134 = tpu.memref_slice %arg5[%dma_start3A_132, %dma_start3A_133] : memref<2x104xi32, #tpu.memory_space<vmem>> -> memref<1x104xi32, #tpu.memory_space<vmem>>
      %dma_start3A_135 = tpu.memref_squeeze %dma_start3A_134 : memref<1x104xi32, #tpu.memory_space<vmem>> -> memref<104xi32, #tpu.memory_space<vmem>>
      %dma_start3A_136 = arith.constant 0 : i32
      %dma_start3A_137 = arith.constant 0 : i32
      %dma_start3A_138 = tpu.memref_slice %arg11[%dma_start3A_136, %dma_start3A_137] : memref<10000x128xf32, #tpu.memory_space<vmem_shared>> -> memref<10000x128xf32, #tpu.memory_space<vmem_shared>>
      tpu.enqueue_indirect_dma source(%arg7 : memref<104x128xf32, #tpu.memory_space<vmem>>) target(%dma_start3A_138 : memref<10000x128xf32, #tpu.memory_space<vmem_shared>>) offsets(%dma_start3A_135 : memref<104xi32, #tpu.memory_space<vmem>>) semaphore(%arg15 : memref<!tpu.dma_semaphore, #tpu.memory_space<semaphore_mem>>) {add = true}
      %lt3A = arith.constant 47 : i32
      %lt3A_139 = arith.cmpi slt, %scan3A_89, %lt3A : i32
      %convert_element_type3A_140 = arith.extui %lt3A_139 : i1 to i32
      %cond3A_141 = arith.constant 0 : i32
      %cond3A_142 = arith.cmpi ne, %convert_element_type3A_140, %cond3A_141 : i32
      scf.if %cond3A_142 {
        %dma_wait3A_149 = arith.constant 0 : i32
        %dma_wait3A_150 = arith.constant 0 : i32
        %dma_wait3A_151 = tpu.memref_slice %arg5[%dma_wait3A_149, %dma_wait3A_150] : memref<2x104xi32, #tpu.memory_space<vmem>> -> memref<1x104xi32, #tpu.memory_space<vmem>>
        %dma_wait3A_152 = tpu.memref_squeeze %dma_wait3A_151 : memref<1x104xi32, #tpu.memory_space<vmem>> -> memref<104xi32, #tpu.memory_space<vmem>>
        %dma_wait3A_153 = arith.constant 0 : i32
        %dma_wait3A_154 = arith.constant 0 : i32
        %dma_wait3A_155 = tpu.memref_slice %arg11[%dma_wait3A_153, %dma_wait3A_154] : memref<10000x128xf32, #tpu.memory_space<vmem_shared>> -> memref<10000x128xf32, #tpu.memory_space<vmem_shared>>
        tpu.wait_indirect_dma semaphore(%arg14 : memref<!tpu.dma_semaphore, #tpu.memory_space<semaphore_mem>>) src(%arg6 : memref<104x128xf32, #tpu.memory_space<vmem>>) dst(%dma_wait3A_155 : memref<10000x128xf32, #tpu.memory_space<vmem_shared>>)
        %mul3A_156 = arith.constant 2 : i32
        %mul3A_157 = arith.muli %mul3A_156, %scan3A_89 : i32
        %add3A_158 = arith.constant 2 : i32
        %add3A_159 = arith.addi %mul3A_157, %add3A_158 : i32
        %mul3A_160 = arith.constant 104 : i32
        %mul3A_161 = arith.muli %add3A_159, %mul3A_160 : i32
        %add3A_162 = arith.addi %mul3A_31, %mul3A_161 : i32
        %dma_start3A_163 = arith.constant 0 : i32
        %dma_start3A_164 = arith.constant 0 : i32
        %dma_start3A_165 = tpu.memref_slice %arg5[%dma_start3A_163, %dma_start3A_164] : memref<2x104xi32, #tpu.memory_space<vmem>> -> memref<1x104xi32, #tpu.memory_space<vmem>>
        %dma_start3A_166 = tpu.memref_squeeze %dma_start3A_165 : memref<1x104xi32, #tpu.memory_space<vmem>> -> memref<104xi32, #tpu.memory_space<vmem>>
        %dma_start3A_167 = tpu.memref_slice %arg3[%add3A_162] : memref<160000xi32, #tpu.memory_space<hbm>> -> memref<104xi32, #tpu.memory_space<hbm>>
        %dma_start3A_168 = arith.constant 0 : i32
        %dma_start3A_169 = tpu.memref_slice %arg5[%dma_start3A_163, %dma_start3A_168] : memref<2x104xi32, #tpu.memory_space<vmem>> -> memref<1x104xi32, #tpu.memory_space<vmem>>
        %dma_start3A_170 = tpu.memref_squeeze %dma_start3A_169 : memref<1x104xi32, #tpu.memory_space<vmem>> -> memref<104xi32, #tpu.memory_space<vmem>>
        %dma_start3A_171 = tpu.memref_slice %arg3[%add3A_162] : memref<160000xi32, #tpu.memory_space<hbm>> -> memref<104xi32, #tpu.memory_space<hbm>>
        tpu.enqueue_dma source(%dma_start3A_171 : memref<104xi32, #tpu.memory_space<hbm>>) target(%dma_start3A_170 : memref<104xi32, #tpu.memory_space<vmem>>) target_semaphore(%arg12 : memref<!tpu.dma_semaphore, #tpu.memory_space<semaphore_mem>>)
        %dma_start3A_172 = tpu.memref_slice %arg2[%add3A_162, %mul3A_33] : memref<160000x256xf32, #tpu.memory_space<hbm>> -> memref<104x128xf32, #tpu.memory_space<hbm>>
        %dma_start3A_173 = tpu.memref_slice %arg2[%add3A_162, %mul3A_33] : memref<160000x256xf32, #tpu.memory_space<hbm>> -> memref<104x128xf32, #tpu.memory_space<hbm>>
        tpu.enqueue_dma source(%dma_start3A_173 : memref<104x128xf32, #tpu.memory_space<hbm>>) target(%arg6 : memref<104x128xf32, #tpu.memory_space<vmem>>) target_semaphore(%arg12 : memref<!tpu.dma_semaphore, #tpu.memory_space<semaphore_mem>>)
      } else {
      }
      %lt3A_143 = arith.constant 47 : i32
      %lt3A_144 = arith.cmpi slt, %scan3A_89, %lt3A_143 : i32
      %convert_element_type3A_145 = arith.extui %lt3A_144 : i1 to i32
      %cond3A_146 = arith.constant 0 : i32
      %cond3A_147 = arith.cmpi ne, %convert_element_type3A_145, %cond3A_146 : i32
      scf.if %cond3A_147 {
        %dma_wait3A_149 = arith.constant 1 : i32
        %dma_wait3A_150 = arith.constant 0 : i32
        %dma_wait3A_151 = tpu.memref_slice %arg5[%dma_wait3A_149, %dma_wait3A_150] : memref<2x104xi32, #tpu.memory_space<vmem>> -> memref<1x104xi32, #tpu.memory_space<vmem>>
        %dma_wait3A_152 = tpu.memref_squeeze %dma_wait3A_151 : memref<1x104xi32, #tpu.memory_space<vmem>> -> memref<104xi32, #tpu.memory_space<vmem>>
        %dma_wait3A_153 = arith.constant 0 : i32
        %dma_wait3A_154 = arith.constant 0 : i32
        %dma_wait3A_155 = tpu.memref_slice %arg11[%dma_wait3A_153, %dma_wait3A_154] : memref<10000x128xf32, #tpu.memory_space<vmem_shared>> -> memref<10000x128xf32, #tpu.memory_space<vmem_shared>>
        tpu.wait_indirect_dma semaphore(%arg15 : memref<!tpu.dma_semaphore, #tpu.memory_space<semaphore_mem>>) src(%arg7 : memref<104x128xf32, #tpu.memory_space<vmem>>) dst(%dma_wait3A_155 : memref<10000x128xf32, #tpu.memory_space<vmem_shared>>)
        %mul3A_156 = arith.constant 2 : i32
        %mul3A_157 = arith.muli %mul3A_156, %scan3A_89 : i32
        %add3A_158 = arith.constant 3 : i32
        %add3A_159 = arith.addi %mul3A_157, %add3A_158 : i32
        %mul3A_160 = arith.constant 104 : i32
        %mul3A_161 = arith.muli %add3A_159, %mul3A_160 : i32
        %add3A_162 = arith.addi %mul3A_31, %mul3A_161 : i32
        %dma_start3A_163 = arith.constant 1 : i32
        %dma_start3A_164 = arith.constant 0 : i32
        %dma_start3A_165 = tpu.memref_slice %arg5[%dma_start3A_163, %dma_start3A_164] : memref<2x104xi32, #tpu.memory_space<vmem>> -> memref<1x104xi32, #tpu.memory_space<vmem>>
        %dma_start3A_166 = tpu.memref_squeeze %dma_start3A_165 : memref<1x104xi32, #tpu.memory_space<vmem>> -> memref<104xi32, #tpu.memory_space<vmem>>
        %dma_start3A_167 = tpu.memref_slice %arg3[%add3A_162] : memref<160000xi32, #tpu.memory_space<hbm>> -> memref<104xi32, #tpu.memory_space<hbm>>
        %dma_start3A_168 = arith.constant 0 : i32
        %dma_start3A_169 = tpu.memref_slice %arg5[%dma_start3A_163, %dma_start3A_168] : memref<2x104xi32, #tpu.memory_space<vmem>> -> memref<1x104xi32, #tpu.memory_space<vmem>>
        %dma_start3A_170 = tpu.memref_squeeze %dma_start3A_169 : memref<1x104xi32, #tpu.memory_space<vmem>> -> memref<104xi32, #tpu.memory_space<vmem>>
        %dma_start3A_171 = tpu.memref_slice %arg3[%add3A_162] : memref<160000xi32, #tpu.memory_space<hbm>> -> memref<104xi32, #tpu.memory_space<hbm>>
        tpu.enqueue_dma source(%dma_start3A_171 : memref<104xi32, #tpu.memory_space<hbm>>) target(%dma_start3A_170 : memref<104xi32, #tpu.memory_space<vmem>>) target_semaphore(%arg13 : memref<!tpu.dma_semaphore, #tpu.memory_space<semaphore_mem>>)
        %dma_start3A_172 = tpu.memref_slice %arg2[%add3A_162, %mul3A_33] : memref<160000x256xf32, #tpu.memory_space<hbm>> -> memref<104x128xf32, #tpu.memory_space<hbm>>
        %dma_start3A_173 = tpu.memref_slice %arg2[%add3A_162, %mul3A_33] : memref<160000x256xf32, #tpu.memory_space<hbm>> -> memref<104x128xf32, #tpu.memory_space<hbm>>
        tpu.enqueue_dma source(%dma_start3A_173 : memref<104x128xf32, #tpu.memory_space<hbm>>) target(%arg7 : memref<104x128xf32, #tpu.memory_space<vmem>>) target_semaphore(%arg13 : memref<!tpu.dma_semaphore, #tpu.memory_space<semaphore_mem>>)
      } else {
      }
      %scan3A_148 = arith.constant 0 : i32
      scf.yield %scan3A_148 : i32
    }
    %scan3A_65 = arith.constant 48 : i32
    %dma_wait3A = arith.constant 0 : i32
    %dma_wait3A_66 = arith.constant 0 : i32
    %dma_wait3A_67 = tpu.memref_slice %arg5[%dma_wait3A, %dma_wait3A_66] : memref<2x104xi32, #tpu.memory_space<vmem>> -> memref<1x104xi32, #tpu.memory_space<vmem>>
    %dma_wait3A_68 = tpu.memref_squeeze %dma_wait3A_67 : memref<1x104xi32, #tpu.memory_space<vmem>> -> memref<104xi32, #tpu.memory_space<vmem>>
    %dma_wait3A_69 = arith.constant 0 : i32
    %dma_wait3A_70 = arith.constant 0 : i32
    %dma_wait3A_71 = tpu.memref_slice %arg11[%dma_wait3A_69, %dma_wait3A_70] : memref<10000x128xf32, #tpu.memory_space<vmem_shared>> -> memref<10000x128xf32, #tpu.memory_space<vmem_shared>>
    tpu.wait_indirect_dma semaphore(%arg14 : memref<!tpu.dma_semaphore, #tpu.memory_space<semaphore_mem>>) src(%arg6 : memref<104x128xf32, #tpu.memory_space<vmem>>) dst(%dma_wait3A_71 : memref<10000x128xf32, #tpu.memory_space<vmem_shared>>)
    %dma_wait3A_72 = arith.constant 1 : i32
    %dma_wait3A_73 = arith.constant 0 : i32
    %dma_wait3A_74 = tpu.memref_slice %arg5[%dma_wait3A_72, %dma_wait3A_73] : memref<2x104xi32, #tpu.memory_space<vmem>> -> memref<1x104xi32, #tpu.memory_space<vmem>>
    %dma_wait3A_75 = tpu.memref_squeeze %dma_wait3A_74 : memref<1x104xi32, #tpu.memory_space<vmem>> -> memref<104xi32, #tpu.memory_space<vmem>>
    %dma_wait3A_76 = arith.constant 0 : i32
    %dma_wait3A_77 = arith.constant 0 : i32
    %dma_wait3A_78 = tpu.memref_slice %arg11[%dma_wait3A_76, %dma_wait3A_77] : memref<10000x128xf32, #tpu.memory_space<vmem_shared>> -> memref<10000x128xf32, #tpu.memory_space<vmem_shared>>
    tpu.wait_indirect_dma semaphore(%arg15 : memref<!tpu.dma_semaphore, #tpu.memory_space<semaphore_mem>>) src(%arg7 : memref<104x128xf32, #tpu.memory_space<vmem>>) dst(%dma_wait3A_78 : memref<10000x128xf32, #tpu.memory_space<vmem_shared>>)
    %add3A_79 = arith.constant 9984 : i32
    %add3A_80 = arith.addi %mul3A_31, %add3A_79 : i32
    "tpu.region"() ({
      %run_scoped3A = tpu.sem_alloc : memref<!tpu.dma_semaphore, #tpu.memory_space<semaphore_mem>>
      %dma_start3A_89 = tpu.memref_slice %arg3[%add3A_80] : memref<160000xi32, #tpu.memory_space<hbm>> -> memref<16xi32, #tpu.memory_space<hbm>>
      %dma_start3A_90 = tpu.memref_slice %arg3[%add3A_80] : memref<160000xi32, #tpu.memory_space<hbm>> -> memref<16xi32, #tpu.memory_space<hbm>>
      tpu.enqueue_dma source(%dma_start3A_90 : memref<16xi32, #tpu.memory_space<hbm>>) target(%arg8 : memref<16xi32, #tpu.memory_space<vmem>>) target_semaphore(%run_scoped3A : memref<!tpu.dma_semaphore, #tpu.memory_space<semaphore_mem>>)
      %dma_wait3A_91 = tpu.memref_slice %arg3[%add3A_80] : memref<160000xi32, #tpu.memory_space<hbm>> -> memref<16xi32, #tpu.memory_space<hbm>>
      %dma_wait3A_92 = tpu.memref_slice %arg3[%add3A_80] : memref<160000xi32, #tpu.memory_space<hbm>> -> memref<16xi32, #tpu.memory_space<hbm>>
      tpu.wait_dma2 semaphore(%run_scoped3A : memref<!tpu.dma_semaphore, #tpu.memory_space<semaphore_mem>>) src(%dma_wait3A_92 : memref<16xi32, #tpu.memory_space<hbm>>) dst(%arg8 : memref<16xi32, #tpu.memory_space<vmem>>)
      tpu.yield
    }) : () -> ()
    "tpu.region"() ({
      %run_scoped3A = tpu.sem_alloc : memref<!tpu.dma_semaphore, #tpu.memory_space<semaphore_mem>>
      %dma_start3A_89 = tpu.memref_slice %arg2[%add3A_80, %mul3A_33] : memref<160000x256xf32, #tpu.memory_space<hbm>> -> memref<16x128xf32, #tpu.memory_space<hbm>>
      %dma_start3A_90 = tpu.memref_slice %arg2[%add3A_80, %mul3A_33] : memref<160000x256xf32, #tpu.memory_space<hbm>> -> memref<16x128xf32, #tpu.memory_space<hbm>>
      tpu.enqueue_dma source(%dma_start3A_90 : memref<16x128xf32, #tpu.memory_space<hbm>>) target(%arg9 : memref<16x128xf32, #tpu.memory_space<vmem>>) target_semaphore(%run_scoped3A : memref<!tpu.dma_semaphore, #tpu.memory_space<semaphore_mem>>)
      %dma_wait3A_91 = tpu.memref_slice %arg2[%add3A_80, %mul3A_33] : memref<160000x256xf32, #tpu.memory_space<hbm>> -> memref<16x128xf32, #tpu.memory_space<hbm>>
      %dma_wait3A_92 = tpu.memref_slice %arg2[%add3A_80, %mul3A_33] : memref<160000x256xf32, #tpu.memory_space<hbm>> -> memref<16x128xf32, #tpu.memory_space<hbm>>
      tpu.wait_dma2 semaphore(%run_scoped3A : memref<!tpu.dma_semaphore, #tpu.memory_space<semaphore_mem>>) src(%dma_wait3A_92 : memref<16x128xf32, #tpu.memory_space<hbm>>) dst(%arg9 : memref<16x128xf32, #tpu.memory_space<vmem>>)
      tpu.yield
    }) : () -> ()
    "tpu.region"() ({
      %run_scoped3A = tpu.sem_alloc : memref<!tpu.dma_semaphore, #tpu.memory_space<semaphore_mem>>
      %dma_start3A_89 = arith.constant 0 : i32
      %dma_start3A_90 = arith.constant 0 : i32
      %dma_start3A_91 = tpu.memref_slice %arg11[%dma_start3A_89, %dma_start3A_90] : memref<10000x128xf32, #tpu.memory_space<vmem_shared>> -> memref<10000x128xf32, #tpu.memory_space<vmem_shared>>
      tpu.enqueue_indirect_dma source(%arg9 : memref<16x128xf32, #tpu.memory_space<vmem>>) target(%dma_start3A_91 : memref<10000x128xf32, #tpu.memory_space<vmem_shared>>) offsets(%arg8 : memref<16xi32, #tpu.memory_space<vmem>>) semaphore(%run_scoped3A : memref<!tpu.dma_semaphore, #tpu.memory_space<semaphore_mem>>) {add = true}
      %dma_wait3A_92 = arith.constant 0 : i32
      %dma_wait3A_93 = arith.constant 0 : i32
      %dma_wait3A_94 = tpu.memref_slice %arg11[%dma_wait3A_92, %dma_wait3A_93] : memref<10000x128xf32, #tpu.memory_space<vmem_shared>> -> memref<10000x128xf32, #tpu.memory_space<vmem_shared>>
      tpu.wait_indirect_dma semaphore(%run_scoped3A : memref<!tpu.dma_semaphore, #tpu.memory_space<semaphore_mem>>) src(%arg9 : memref<16x128xf32, #tpu.memory_space<vmem>>) dst(%dma_wait3A_94 : memref<10000x128xf32, #tpu.memory_space<vmem_shared>>)
      tpu.yield
    }) : () -> ()
    %barrier3A_81 = arith.constant 0 : index
    tpu.barrier barrier_id(%barrier3A_81)
    %mul3A_82 = arith.constant 624 : i32
    %mul3A_83 = arith.muli %arg1, %mul3A_82 : i32
    "tpu.region"() ({
      %run_scoped3A = tpu.sem_alloc : memref<!tpu.dma_semaphore, #tpu.memory_space<semaphore_mem>>
      %dma_start3A_89 = arith.constant 0 : i32
      %dma_start3A_90 = tpu.memref_slice %arg4[%arg0, %mul3A_83, %dma_start3A_89] : memref<2x10000x128xf32, #tpu.memory_space<hbm>> -> memref<1x624x128xf32, #tpu.memory_space<hbm>>
      %dma_start3A_91 = tpu.memref_squeeze %dma_start3A_90 : memref<1x624x128xf32, #tpu.memory_space<hbm>> -> memref<624x128xf32, #tpu.memory_space<hbm>>
      %dma_start3A_92 = arith.constant 0 : i32
      %dma_start3A_93 = tpu.memref_slice %arg11[%mul3A_83, %dma_start3A_92] : memref<10000x128xf32, #tpu.memory_space<vmem_shared>> -> memref<624x128xf32, #tpu.memory_space<vmem_shared>>
      tpu.enqueue_dma source(%dma_start3A_93 : memref<624x128xf32, #tpu.memory_space<vmem_shared>>) target(%dma_start3A_91 : memref<624x128xf32, #tpu.memory_space<hbm>>) target_semaphore(%run_scoped3A : memref<!tpu.dma_semaphore, #tpu.memory_space<semaphore_mem>>)
      %dma_wait3A_94 = arith.constant 0 : i32
      %dma_wait3A_95 = tpu.memref_slice %arg4[%arg0, %mul3A_83, %dma_wait3A_94] : memref<2x10000x128xf32, #tpu.memory_space<hbm>> -> memref<1x624x128xf32, #tpu.memory_space<hbm>>
      %dma_wait3A_96 = tpu.memref_squeeze %dma_wait3A_95 : memref<1x624x128xf32, #tpu.memory_space<hbm>> -> memref<624x128xf32, #tpu.memory_space<hbm>>
      %dma_wait3A_97 = arith.constant 0 : i32
      %dma_wait3A_98 = tpu.memref_slice %arg11[%mul3A_83, %dma_wait3A_97] : memref<10000x128xf32, #tpu.memory_space<vmem_shared>> -> memref<624x128xf32, #tpu.memory_space<vmem_shared>>
      tpu.wait_dma2 semaphore(%run_scoped3A : memref<!tpu.dma_semaphore, #tpu.memory_space<semaphore_mem>>) src(%dma_wait3A_98 : memref<624x128xf32, #tpu.memory_space<vmem_shared>>) dst(%dma_wait3A_96 : memref<624x128xf32, #tpu.memory_space<hbm>>)
      tpu.yield
    }) : () -> ()
    %eq3A_84 = arith.constant 15 : i32
    %eq3A_85 = arith.cmpi eq, %arg1, %eq3A_84 : i32
    %convert_element_type3A_86 = arith.extui %eq3A_85 : i1 to i32
    %cond3A_87 = arith.constant 0 : i32
    %cond3A_88 = arith.cmpi ne, %convert_element_type3A_86, %cond3A_87 : i32
    scf.if %cond3A_88 {
      "tpu.region"() ({
        %run_scoped3A = tpu.sem_alloc : memref<!tpu.dma_semaphore, #tpu.memory_space<semaphore_mem>>
        %dma_start3A_89 = arith.constant 9984 : i32
        %dma_start3A_90 = arith.constant 0 : i32
        %dma_start3A_91 = tpu.memref_slice %arg4[%arg0, %dma_start3A_89, %dma_start3A_90] : memref<2x10000x128xf32, #tpu.memory_space<hbm>> -> memref<1x16x128xf32, #tpu.memory_space<hbm>>
        %dma_start3A_92 = tpu.memref_squeeze %dma_start3A_91 : memref<1x16x128xf32, #tpu.memory_space<hbm>> -> memref<16x128xf32, #tpu.memory_space<hbm>>
        %dma_start3A_93 = arith.constant 9984 : i32
        %dma_start3A_94 = arith.constant 0 : i32
        %dma_start3A_95 = tpu.memref_slice %arg11[%dma_start3A_93, %dma_start3A_94] : memref<10000x128xf32, #tpu.memory_space<vmem_shared>> -> memref<16x128xf32, #tpu.memory_space<vmem_shared>>
        tpu.enqueue_dma source(%dma_start3A_95 : memref<16x128xf32, #tpu.memory_space<vmem_shared>>) target(%dma_start3A_92 : memref<16x128xf32, #tpu.memory_space<hbm>>) target_semaphore(%run_scoped3A : memref<!tpu.dma_semaphore, #tpu.memory_space<semaphore_mem>>)
        %dma_wait3A_96 = arith.constant 9984 : i32
        %dma_wait3A_97 = arith.constant 0 : i32
        %dma_wait3A_98 = tpu.memref_slice %arg4[%arg0, %dma_wait3A_96, %dma_wait3A_97] : memref<2x10000x128xf32, #tpu.memory_space<hbm>> -> memref<1x16x128xf32, #tpu.memory_space<hbm>>
        %dma_wait3A_99 = tpu.memref_squeeze %dma_wait3A_98 : memref<1x16x128xf32, #tpu.memory_space<hbm>> -> memref<16x128xf32, #tpu.memory_space<hbm>>
        %dma_wait3A_100 = arith.constant 9984 : i32
        %dma_wait3A_101 = arith.constant 0 : i32
        %dma_wait3A_102 = tpu.memref_slice %arg11[%dma_wait3A_100, %dma_wait3A_101] : memref<10000x128xf32, #tpu.memory_space<vmem_shared>> -> memref<16x128xf32, #tpu.memory_space<vmem_shared>>
        tpu.wait_dma2 semaphore(%run_scoped3A : memref<!tpu.dma_semaphore, #tpu.memory_space<semaphore_mem>>) src(%dma_wait3A_102 : memref<16x128xf32, #tpu.memory_space<vmem_shared>>) dst(%dma_wait3A_99 : memref<16x128xf32, #tpu.memory_space<hbm>>)
        tpu.yield
      }) : () -> ()
    } else {
    }
    return
  }
}

module attributes {stable_mosaic.version = 14 : i64} {
  func.func @_pre_body(%arg0: i32, %arg1: memref<2000x256xf32, #tpu.memory_space<vmem>>, %arg2: memref<256x256xf32, #tpu.memory_space<vmem>>, %arg3: memref<256x256xf32, #tpu.memory_space<vmem>>, %arg4: memref<2000x128xi32, #tpu.memory_space<vmem>>, %arg5: memref<2000x128xi32, #tpu.memory_space<vmem>>) attributes {dimension_semantics = [#tpu.dimension_semantics<arbitrary>], iteration_bounds = array<i64: 5>, scalar_prefetch = 0 : i64, scratch_operands = 0 : i64, tpu.core_type = #tpu.core_type<tc>, window_params = [{transform_indices = @transform_0, window_bounds = array<i64: 2000, 256>}, {pipeline_mode = #tpu.pipeline_mode<synchronous>, transform_indices = @transform_1, window_bounds = array<i64: 256, 256>}, {pipeline_mode = #tpu.pipeline_mode<synchronous>, transform_indices = @transform_2, window_bounds = array<i64: 256, 256>}, {transform_indices = @transform_3, window_bounds = array<i64: 2000, 128>}, {transform_indices = @transform_4, window_bounds = array<i64: 2000, 128>}]} {
    %get3A = arith.constant 0 : index
    %get3A_0 = arith.constant 0 : index
    %get3A_1 = vector.load %arg1[%get3A, %get3A_0] : memref<2000x256xf32, #tpu.memory_space<vmem>>, vector<2000x256xf32>
    %get3A_2 = arith.constant 0 : index
    %get3A_3 = arith.constant 0 : index
    %get3A_4 = vector.load %arg2[%get3A_2, %get3A_3] : memref<256x256xf32, #tpu.memory_space<vmem>>, vector<256x256xf32>
    %dot_general3A = arith.constant dense<0.000000e+00> : vector<2000x256xf32>
    %dot_general3A_5 = tpu.matmul %get3A_1, %get3A_4, %dot_general3A {dimension_numbers = #tpu.dot_dimension_numbers<[1], [0], [0], [1], [0, 0, 1, 1], [], []>, transpose_lhs_hint = false} : vector<2000x256xf32>, vector<256x256xf32>, vector<2000x256xf32> -> vector<2000x256xf32>
    %convert_element_type3A = arith.truncf %dot_general3A_5 : vector<2000x256xf32> to vector<2000x256xbf16>
    %slice3A = vector.extract_strided_slice %convert_element_type3A {offsets = [0, 0], sizes = [2000, 128], strides = [1, 1]} : vector<2000x256xbf16> to vector<2000x128xbf16>
    %bitcast_convert_type3A = tpu.bitcast %slice3A : vector<2000x128xbf16> -> vector<2000x128xi16>
    %convert_element_type3A_6 = arith.extui %bitcast_convert_type3A : vector<2000x128xi16> to vector<2000x128xi32>
    %slice3A_7 = vector.extract_strided_slice %convert_element_type3A {offsets = [0, 128], sizes = [2000, 128], strides = [1, 1]} : vector<2000x256xbf16> to vector<2000x128xbf16>
    %bitcast_convert_type3A_8 = tpu.bitcast %slice3A_7 : vector<2000x128xbf16> -> vector<2000x128xi16>
    %convert_element_type3A_9 = arith.extui %bitcast_convert_type3A_8 : vector<2000x128xi16> to vector<2000x128xi32>
    %shift_left3A = arith.constant 16 : i32
    %shift_left3A_10 = vector.broadcast %shift_left3A : i32 to vector<2000x128xi32>
    %shift_left3A_11 = arith.shli %convert_element_type3A_9, %shift_left3A_10 : vector<2000x128xi32>
    %or3A = arith.ori %shift_left3A_11, %convert_element_type3A_6 : vector<2000x128xi32>
    %bitcast_convert_type3A_12 = tpu.bitcast %or3A : vector<2000x128xi32> -> vector<2000x128xi32>
    %swap3A = arith.constant 0 : index
    %swap3A_13 = arith.constant 0 : index
    %swap3A_14 = vector.load %arg4[%swap3A, %swap3A_13] : memref<2000x128xi32, #tpu.memory_space<vmem>>, vector<2000x128xi32>
    tpu.vector_store %arg4[%swap3A, %swap3A_13], %bitcast_convert_type3A_12 {strides = array<i32>} : memref<2000x128xi32, #tpu.memory_space<vmem>>, vector<2000x128xi32>,
    %get3A_15 = arith.constant 0 : index
    %get3A_16 = arith.constant 0 : index
    %get3A_17 = vector.load %arg3[%get3A_15, %get3A_16] : memref<256x256xf32, #tpu.memory_space<vmem>>, vector<256x256xf32>
    %dot_general3A_18 = arith.constant dense<0.000000e+00> : vector<2000x256xf32>
    %dot_general3A_19 = tpu.matmul %get3A_1, %get3A_17, %dot_general3A_18 {dimension_numbers = #tpu.dot_dimension_numbers<[1], [0], [0], [1], [0, 0, 1, 1], [], []>, transpose_lhs_hint = false} : vector<2000x256xf32>, vector<256x256xf32>, vector<2000x256xf32> -> vector<2000x256xf32>
    %convert_element_type3A_20 = arith.truncf %dot_general3A_19 : vector<2000x256xf32> to vector<2000x256xbf16>
    %slice3A_21 = vector.extract_strided_slice %convert_element_type3A_20 {offsets = [0, 0], sizes = [2000, 128], strides = [1, 1]} : vector<2000x256xbf16> to vector<2000x128xbf16>
    %bitcast_convert_type3A_22 = tpu.bitcast %slice3A_21 : vector<2000x128xbf16> -> vector<2000x128xi16>
    %convert_element_type3A_23 = arith.extui %bitcast_convert_type3A_22 : vector<2000x128xi16> to vector<2000x128xi32>
    %slice3A_24 = vector.extract_strided_slice %convert_element_type3A_20 {offsets = [0, 128], sizes = [2000, 128], strides = [1, 1]} : vector<2000x256xbf16> to vector<2000x128xbf16>
    %bitcast_convert_type3A_25 = tpu.bitcast %slice3A_24 : vector<2000x128xbf16> -> vector<2000x128xi16>
    %convert_element_type3A_26 = arith.extui %bitcast_convert_type3A_25 : vector<2000x128xi16> to vector<2000x128xi32>
    %shift_left3A_27 = arith.constant 16 : i32
    %shift_left3A_28 = vector.broadcast %shift_left3A_27 : i32 to vector<2000x128xi32>
    %shift_left3A_29 = arith.shli %convert_element_type3A_26, %shift_left3A_28 : vector<2000x128xi32>
    %or3A_30 = arith.ori %shift_left3A_29, %convert_element_type3A_23 : vector<2000x128xi32>
    %bitcast_convert_type3A_31 = tpu.bitcast %or3A_30 : vector<2000x128xi32> -> vector<2000x128xi32>
    %swap3A_32 = arith.constant 0 : index
    %swap3A_33 = arith.constant 0 : index
    %swap3A_34 = vector.load %arg5[%swap3A_32, %swap3A_33] : memref<2000x128xi32, #tpu.memory_space<vmem>>, vector<2000x128xi32>
    tpu.vector_store %arg5[%swap3A_32, %swap3A_33], %bitcast_convert_type3A_31 {strides = array<i32>} : memref<2000x128xi32, #tpu.memory_space<vmem>>, vector<2000x128xi32>,
    return
  }
  func.func @transform_0(%arg0: i32) -> (i32, i32) {
    %c0_i32 = arith.constant 0 : i32
    %c0_i32_0 = arith.constant 0 : i32
    return %arg0, %c0_i32 : i32, i32
  }
  func.func @transform_1(%arg0: i32) -> (i32, i32) {
    %c0_i32 = arith.constant 0 : i32
    %c0_i32_0 = arith.constant 0 : i32
    %c0_i32_1 = arith.constant 0 : i32
    return %c0_i32, %c0_i32_0 : i32, i32
  }
  func.func @transform_2(%arg0: i32) -> (i32, i32) {
    %c0_i32 = arith.constant 0 : i32
    %c0_i32_0 = arith.constant 0 : i32
    %c0_i32_1 = arith.constant 0 : i32
    return %c0_i32, %c0_i32_0 : i32, i32
  }
  func.func @transform_3(%arg0: i32) -> (i32, i32) {
    %c0_i32 = arith.constant 0 : i32
    %c0_i32_0 = arith.constant 0 : i32
    return %arg0, %c0_i32 : i32, i32
  }
  func.func @transform_4(%arg0: i32) -> (i32, i32) {
    %c0_i32 = arith.constant 0 : i32
    %c0_i32_0 = arith.constant 0 : i32
    return %arg0, %c0_i32 : i32, i32
  }
}

module attributes {stable_mosaic.version = 14 : i64} {
  func.func @_edge_body(%arg0: i32, %arg1: memref<5000x128xi32, #tpu.memory_space<vmem>>, %arg2: memref<5000x128xi32, #tpu.memory_space<vmem>>, %arg3: memref<5000x16xf32, #tpu.memory_space<vmem>>, %arg4: memref<16x256xf32, #tpu.memory_space<vmem>>, %arg5: memref<1x256xf32, #tpu.memory_space<vmem>>, %arg6: memref<256x256xbf16, #tpu.memory_space<vmem>>, %arg7: memref<1x256xf32, #tpu.memory_space<vmem>>, %arg8: memref<5000x256xf32, #tpu.memory_space<vmem>>) attributes {dimension_semantics = [#tpu.dimension_semantics<arbitrary>], iteration_bounds = array<i64: 32>, scalar_prefetch = 0 : i64, scratch_operands = 0 : i64, tpu.core_type = #tpu.core_type<tc>, window_params = [{transform_indices = @transform_0, window_bounds = array<i64: 5000, 128>}, {transform_indices = @transform_1, window_bounds = array<i64: 5000, 128>}, {transform_indices = @transform_2, window_bounds = array<i64: 5000, 16>}, {pipeline_mode = #tpu.pipeline_mode<synchronous>, transform_indices = @transform_3, window_bounds = array<i64: 16, 256>}, {pipeline_mode = #tpu.pipeline_mode<synchronous>, transform_indices = @transform_4, window_bounds = array<i64: 1, 256>}, {pipeline_mode = #tpu.pipeline_mode<synchronous>, transform_indices = @transform_5, window_bounds = array<i64: 256, 256>}, {pipeline_mode = #tpu.pipeline_mode<synchronous>, transform_indices = @transform_6, window_bounds = array<i64: 1, 256>}, {transform_indices = @transform_7, window_bounds = array<i64: 5000, 256>}]} {
    %get3A = arith.constant 0 : index
    %get3A_0 = arith.constant 0 : index
    %get3A_1 = vector.load %arg1[%get3A, %get3A_0] : memref<5000x128xi32, #tpu.memory_space<vmem>>, vector<5000x128xi32>
    %bitcast_convert_type3A = tpu.bitcast %get3A_1 : vector<5000x128xi32> -> vector<5000x128xi32>
    %and3A = arith.constant 65535 : i32
    %and3A_2 = vector.broadcast %and3A : i32 to vector<5000x128xi32>
    %and3A_3 = arith.andi %bitcast_convert_type3A, %and3A_2 : vector<5000x128xi32>
    %convert_element_type3A = arith.trunci %and3A_3 : vector<5000x128xi32> to vector<5000x128xi16>
    %bitcast_convert_type3A_4 = tpu.bitcast %convert_element_type3A : vector<5000x128xi16> -> vector<5000x128xbf16>
    %convert_element_type3A_5 = arith.extf %bitcast_convert_type3A_4 : vector<5000x128xbf16> to vector<5000x128xf32>
    %shift_right_logical3A = arith.constant 16 : i32
    %shift_right_logical3A_6 = vector.broadcast %shift_right_logical3A : i32 to vector<5000x128xi32>
    %shift_right_logical3A_7 = arith.shrui %bitcast_convert_type3A, %shift_right_logical3A_6 : vector<5000x128xi32>
    %convert_element_type3A_8 = arith.trunci %shift_right_logical3A_7 : vector<5000x128xi32> to vector<5000x128xi16>
    %bitcast_convert_type3A_9 = tpu.bitcast %convert_element_type3A_8 : vector<5000x128xi16> -> vector<5000x128xbf16>
    %convert_element_type3A_10 = arith.extf %bitcast_convert_type3A_9 : vector<5000x128xbf16> to vector<5000x128xf32>
    %get3A_11 = arith.constant 0 : index
    %get3A_12 = arith.constant 0 : index
    %get3A_13 = vector.load %arg2[%get3A_11, %get3A_12] : memref<5000x128xi32, #tpu.memory_space<vmem>>, vector<5000x128xi32>
    %bitcast_convert_type3A_14 = tpu.bitcast %get3A_13 : vector<5000x128xi32> -> vector<5000x128xi32>
    %and3A_15 = arith.constant 65535 : i32
    %and3A_16 = vector.broadcast %and3A_15 : i32 to vector<5000x128xi32>
    %and3A_17 = arith.andi %bitcast_convert_type3A_14, %and3A_16 : vector<5000x128xi32>
    %convert_element_type3A_18 = arith.trunci %and3A_17 : vector<5000x128xi32> to vector<5000x128xi16>
    %bitcast_convert_type3A_19 = tpu.bitcast %convert_element_type3A_18 : vector<5000x128xi16> -> vector<5000x128xbf16>
    %convert_element_type3A_20 = arith.extf %bitcast_convert_type3A_19 : vector<5000x128xbf16> to vector<5000x128xf32>
    %shift_right_logical3A_21 = arith.constant 16 : i32
    %shift_right_logical3A_22 = vector.broadcast %shift_right_logical3A_21 : i32 to vector<5000x128xi32>
    %shift_right_logical3A_23 = arith.shrui %bitcast_convert_type3A_14, %shift_right_logical3A_22 : vector<5000x128xi32>
    %convert_element_type3A_24 = arith.trunci %shift_right_logical3A_23 : vector<5000x128xi32> to vector<5000x128xi16>
    %bitcast_convert_type3A_25 = tpu.bitcast %convert_element_type3A_24 : vector<5000x128xi16> -> vector<5000x128xbf16>
    %convert_element_type3A_26 = arith.extf %bitcast_convert_type3A_25 : vector<5000x128xbf16> to vector<5000x128xf32>
    %get3A_27 = arith.constant 0 : index
    %get3A_28 = arith.constant 0 : index
    %get3A_29 = vector.load %arg3[%get3A_27, %get3A_28] : memref<5000x16xf32, #tpu.memory_space<vmem>>, vector<5000x16xf32>
    %get3A_30 = arith.constant 0 : index
    %get3A_31 = arith.constant 0 : index
    %get3A_32 = vector.load %arg4[%get3A_30, %get3A_31] : memref<16x256xf32, #tpu.memory_space<vmem>>, vector<16x256xf32>
    %dot_general3A = arith.constant dense<0.000000e+00> : vector<5000x256xf32>
    %dot_general3A_33 = tpu.matmul %get3A_29, %get3A_32, %dot_general3A {dimension_numbers = #tpu.dot_dimension_numbers<[1], [0], [0], [1], [0, 0, 1, 1], [], []>, transpose_lhs_hint = false} : vector<5000x16xf32>, vector<16x256xf32>, vector<5000x256xf32> -> vector<5000x256xf32>
    %add3A = arith.addf %convert_element_type3A_5, %convert_element_type3A_20 : vector<5000x128xf32>
    %slice3A = vector.extract_strided_slice %dot_general3A_33 {offsets = [0, 0], sizes = [5000, 128], strides = [1, 1]} : vector<5000x256xf32> to vector<5000x128xf32>
    %add3A_34 = arith.addf %add3A, %slice3A : vector<5000x128xf32>
    %get3A_35 = arith.constant 0 : index
    %get3A_36 = arith.constant 0 : index
    %get3A_37 = vector.load %arg5[%get3A_35, %get3A_36] : memref<1x256xf32, #tpu.memory_space<vmem>>, vector<1x128xf32>
    %add3A_38 = vector.broadcast %get3A_37 : vector<1x128xf32> to vector<5000x128xf32>
    %add3A_39 = arith.addf %add3A_34, %add3A_38 : vector<5000x128xf32>
    %add3A_40 = arith.addf %convert_element_type3A_10, %convert_element_type3A_26 : vector<5000x128xf32>
    %slice3A_41 = vector.extract_strided_slice %dot_general3A_33 {offsets = [0, 128], sizes = [5000, 128], strides = [1, 1]} : vector<5000x256xf32> to vector<5000x128xf32>
    %add3A_42 = arith.addf %add3A_40, %slice3A_41 : vector<5000x128xf32>
    %get3A_43 = arith.constant 0 : index
    %get3A_44 = arith.constant 128 : index
    %get3A_45 = vector.load %arg5[%get3A_43, %get3A_44] : memref<1x256xf32, #tpu.memory_space<vmem>>, vector<1x128xf32>
    %add3A_46 = vector.broadcast %get3A_45 : vector<1x128xf32> to vector<5000x128xf32>
    %add3A_47 = arith.addf %add3A_42, %add3A_46 : vector<5000x128xf32>
    %logistic3A = arith.negf %add3A_39 : vector<5000x128xf32>
    %logistic3A_48 = math.exp %logistic3A : vector<5000x128xf32>
    %logistic3A_49 = arith.constant 1.000000e+00 : f32
    %logistic3A_50 = vector.broadcast %logistic3A_49 : f32 to vector<5000x128xf32>
    %logistic3A_51 = arith.addf %logistic3A_50, %logistic3A_48 : vector<5000x128xf32>
    %logistic3A_52 = arith.divf %logistic3A_50, %logistic3A_51 : vector<5000x128xf32>
    %mul3A = arith.mulf %add3A_39, %logistic3A_52 : vector<5000x128xf32>
    %logistic3A_53 = arith.negf %add3A_47 : vector<5000x128xf32>
    %logistic3A_54 = math.exp %logistic3A_53 : vector<5000x128xf32>
    %logistic3A_55 = arith.constant 1.000000e+00 : f32
    %logistic3A_56 = vector.broadcast %logistic3A_55 : f32 to vector<5000x128xf32>
    %logistic3A_57 = arith.addf %logistic3A_56, %logistic3A_54 : vector<5000x128xf32>
    %logistic3A_58 = arith.divf %logistic3A_56, %logistic3A_57 : vector<5000x128xf32>
    %mul3A_59 = arith.mulf %add3A_47, %logistic3A_58 : vector<5000x128xf32>
    %convert_element_type3A_60 = arith.truncf %mul3A : vector<5000x128xf32> to vector<5000x128xbf16>
    %get3A_61 = arith.constant 0 : index
    %get3A_62 = arith.constant 0 : index
    %get3A_63 = vector.load %arg6[%get3A_61, %get3A_62] : memref<256x256xbf16, #tpu.memory_space<vmem>>, vector<128x256xbf16>
    %dot_general3A_64 = arith.constant dense<0.000000e+00> : vector<5000x256xf32>
    %dot_general3A_65 = tpu.matmul %convert_element_type3A_60, %get3A_63, %dot_general3A_64 {dimension_numbers = #tpu.dot_dimension_numbers<[1], [0], [0], [1], [0, 0, 1, 1], [], []>, transpose_lhs_hint = false} : vector<5000x128xbf16>, vector<128x256xbf16>, vector<5000x256xf32> -> vector<5000x256xf32>
    %convert_element_type3A_66 = arith.truncf %mul3A_59 : vector<5000x128xf32> to vector<5000x128xbf16>
    %get3A_67 = arith.constant 128 : index
    %get3A_68 = arith.constant 0 : index
    %get3A_69 = vector.load %arg6[%get3A_67, %get3A_68] : memref<256x256xbf16, #tpu.memory_space<vmem>>, vector<128x256xbf16>
    %dot_general3A_70 = arith.constant dense<0.000000e+00> : vector<5000x256xf32>
    %dot_general3A_71 = tpu.matmul %convert_element_type3A_66, %get3A_69, %dot_general3A_70 {dimension_numbers = #tpu.dot_dimension_numbers<[1], [0], [0], [1], [0, 0, 1, 1], [], []>, transpose_lhs_hint = false} : vector<5000x128xbf16>, vector<128x256xbf16>, vector<5000x256xf32> -> vector<5000x256xf32>
    %add3A_72 = arith.addf %dot_general3A_65, %dot_general3A_71 : vector<5000x256xf32>
    %get3A_73 = arith.constant 0 : index
    %get3A_74 = arith.constant 0 : index
    %get3A_75 = vector.load %arg7[%get3A_73, %get3A_74] : memref<1x256xf32, #tpu.memory_space<vmem>>, vector<1x256xf32>
    %add3A_76 = vector.broadcast %get3A_75 : vector<1x256xf32> to vector<5000x256xf32>
    %add3A_77 = arith.addf %add3A_72, %add3A_76 : vector<5000x256xf32>
    %logistic3A_78 = arith.negf %add3A_77 : vector<5000x256xf32>
    %logistic3A_79 = math.exp %logistic3A_78 : vector<5000x256xf32>
    %logistic3A_80 = arith.constant 1.000000e+00 : f32
    %logistic3A_81 = vector.broadcast %logistic3A_80 : f32 to vector<5000x256xf32>
    %logistic3A_82 = arith.addf %logistic3A_81, %logistic3A_79 : vector<5000x256xf32>
    %logistic3A_83 = arith.divf %logistic3A_81, %logistic3A_82 : vector<5000x256xf32>
    %mul3A_84 = arith.mulf %add3A_77, %logistic3A_83 : vector<5000x256xf32>
    %swap3A = arith.constant 0 : index
    %swap3A_85 = arith.constant 0 : index
    %swap3A_86 = vector.load %arg8[%swap3A, %swap3A_85] : memref<5000x256xf32, #tpu.memory_space<vmem>>, vector<5000x256xf32>
    tpu.vector_store %arg8[%swap3A, %swap3A_85], %mul3A_84 {strides = array<i32>} : memref<5000x256xf32, #tpu.memory_space<vmem>>, vector<5000x256xf32>,
    return
  }
  func.func @transform_0(%arg0: i32) -> (i32, i32) {
    %c0_i32 = arith.constant 0 : i32
    %c0_i32_0 = arith.constant 0 : i32
    return %arg0, %c0_i32 : i32, i32
  }
  func.func @transform_1(%arg0: i32) -> (i32, i32) {
    %c0_i32 = arith.constant 0 : i32
    %c0_i32_0 = arith.constant 0 : i32
    return %arg0, %c0_i32 : i32, i32
  }
  func.func @transform_2(%arg0: i32) -> (i32, i32) {
    %c0_i32 = arith.constant 0 : i32
    %c0_i32_0 = arith.constant 0 : i32
    return %arg0, %c0_i32 : i32, i32
  }
  func.func @transform_3(%arg0: i32) -> (i32, i32) {
    %c0_i32 = arith.constant 0 : i32
    %c0_i32_0 = arith.constant 0 : i32
    %c0_i32_1 = arith.constant 0 : i32
    return %c0_i32, %c0_i32_0 : i32, i32
  }
  func.func @transform_4(%arg0: i32) -> (i32, i32) {
    %c0_i32 = arith.constant 0 : i32
    %c0_i32_0 = arith.constant 0 : i32
    %c0_i32_1 = arith.constant 0 : i32
    return %c0_i32, %c0_i32_0 : i32, i32
  }
  func.func @transform_5(%arg0: i32) -> (i32, i32) {
    %c0_i32 = arith.constant 0 : i32
    %c0_i32_0 = arith.constant 0 : i32
    %c0_i32_1 = arith.constant 0 : i32
    return %c0_i32, %c0_i32_0 : i32, i32
  }
  func.func @transform_6(%arg0: i32) -> (i32, i32) {
    %c0_i32 = arith.constant 0 : i32
    %c0_i32_0 = arith.constant 0 : i32
    %c0_i32_1 = arith.constant 0 : i32
    return %c0_i32, %c0_i32_0 : i32, i32
  }
  func.func @transform_7(%arg0: i32) -> (i32, i32) {
    %c0_i32 = arith.constant 0 : i32
    %c0_i32_0 = arith.constant 0 : i32
    return %arg0, %c0_i32 : i32, i32
  }
}

module attributes {stable_mosaic.version = 14 : i64} {
  func.func @_node_body(%arg0: i32, %arg1: memref<2000x256xf32, #tpu.memory_space<vmem>>, %arg2: memref<1x2000x128xf32, #tpu.memory_space<vmem>>, %arg3: memref<1x2000x128xf32, #tpu.memory_space<vmem>>, %arg4: memref<256x256xf32, #tpu.memory_space<vmem>>, %arg5: memref<128x256xf32, #tpu.memory_space<vmem>>, %arg6: memref<128x256xf32, #tpu.memory_space<vmem>>, %arg7: memref<1x256xf32, #tpu.memory_space<vmem>>, %arg8: memref<256x256xf32, #tpu.memory_space<vmem>>, %arg9: memref<1x256xf32, #tpu.memory_space<vmem>>, %arg10: memref<2000x256xf32, #tpu.memory_space<vmem>>) attributes {dimension_semantics = [#tpu.dimension_semantics<arbitrary>], iteration_bounds = array<i64: 5>, scalar_prefetch = 0 : i64, scratch_operands = 0 : i64, tpu.core_type = #tpu.core_type<tc>, window_params = [{transform_indices = @transform_0, window_bounds = array<i64: 2000, 256>}, {transform_indices = @transform_1, window_bounds = array<i64: 1, 2000, 128>}, {transform_indices = @transform_2, window_bounds = array<i64: 1, 2000, 128>}, {pipeline_mode = #tpu.pipeline_mode<synchronous>, transform_indices = @transform_3, window_bounds = array<i64: 256, 256>}, {pipeline_mode = #tpu.pipeline_mode<synchronous>, transform_indices = @transform_4, window_bounds = array<i64: 128, 256>}, {pipeline_mode = #tpu.pipeline_mode<synchronous>, transform_indices = @transform_5, window_bounds = array<i64: 128, 256>}, {pipeline_mode = #tpu.pipeline_mode<synchronous>, transform_indices = @transform_6, window_bounds = array<i64: 1, 256>}, {pipeline_mode = #tpu.pipeline_mode<synchronous>, transform_indices = @transform_7, window_bounds = array<i64: 256, 256>}, {pipeline_mode = #tpu.pipeline_mode<synchronous>, transform_indices = @transform_8, window_bounds = array<i64: 1, 256>}, {transform_indices = @transform_9, window_bounds = array<i64: 2000, 256>}]} {
    %get3A = arith.constant 0 : index
    %get3A_0 = arith.constant 0 : index
    %get3A_1 = vector.load %arg1[%get3A, %get3A_0] : memref<2000x256xf32, #tpu.memory_space<vmem>>, vector<2000x256xf32>
    %get3A_2 = arith.constant 0 : index
    %get3A_3 = arith.constant 0 : index
    %get3A_4 = arith.constant 0 : index
    %get3A_5 = vector.load %arg2[%get3A_2, %get3A_3, %get3A_4] : memref<1x2000x128xf32, #tpu.memory_space<vmem>>, vector<1x2000x128xf32>
    %get3A_6 = vector.shape_cast %get3A_5 : vector<1x2000x128xf32> to vector<2000x128xf32>
    %get3A_7 = arith.constant 0 : index
    %get3A_8 = arith.constant 0 : index
    %get3A_9 = arith.constant 0 : index
    %get3A_10 = vector.load %arg3[%get3A_7, %get3A_8, %get3A_9] : memref<1x2000x128xf32, #tpu.memory_space<vmem>>, vector<1x2000x128xf32>
    %get3A_11 = vector.shape_cast %get3A_10 : vector<1x2000x128xf32> to vector<2000x128xf32>
    %get3A_12 = arith.constant 0 : index
    %get3A_13 = arith.constant 0 : index
    %get3A_14 = vector.load %arg4[%get3A_12, %get3A_13] : memref<256x256xf32, #tpu.memory_space<vmem>>, vector<256x256xf32>
    %dot_general3A = arith.constant dense<0.000000e+00> : vector<2000x256xf32>
    %dot_general3A_15 = tpu.matmul %get3A_1, %get3A_14, %dot_general3A {dimension_numbers = #tpu.dot_dimension_numbers<[1], [0], [0], [1], [0, 0, 1, 1], [], []>, transpose_lhs_hint = false} : vector<2000x256xf32>, vector<256x256xf32>, vector<2000x256xf32> -> vector<2000x256xf32>
    %get3A_16 = arith.constant 0 : index
    %get3A_17 = arith.constant 0 : index
    %get3A_18 = vector.load %arg5[%get3A_16, %get3A_17] : memref<128x256xf32, #tpu.memory_space<vmem>>, vector<128x256xf32>
    %dot_general3A_19 = arith.constant dense<0.000000e+00> : vector<2000x256xf32>
    %dot_general3A_20 = tpu.matmul %get3A_6, %get3A_18, %dot_general3A_19 {dimension_numbers = #tpu.dot_dimension_numbers<[1], [0], [0], [1], [0, 0, 1, 1], [], []>, transpose_lhs_hint = false} : vector<2000x128xf32>, vector<128x256xf32>, vector<2000x256xf32> -> vector<2000x256xf32>
    %add3A = arith.addf %dot_general3A_15, %dot_general3A_20 : vector<2000x256xf32>
    %get3A_21 = arith.constant 0 : index
    %get3A_22 = arith.constant 0 : index
    %get3A_23 = vector.load %arg6[%get3A_21, %get3A_22] : memref<128x256xf32, #tpu.memory_space<vmem>>, vector<128x256xf32>
    %dot_general3A_24 = arith.constant dense<0.000000e+00> : vector<2000x256xf32>
    %dot_general3A_25 = tpu.matmul %get3A_11, %get3A_23, %dot_general3A_24 {dimension_numbers = #tpu.dot_dimension_numbers<[1], [0], [0], [1], [0, 0, 1, 1], [], []>, transpose_lhs_hint = false} : vector<2000x128xf32>, vector<128x256xf32>, vector<2000x256xf32> -> vector<2000x256xf32>
    %add3A_26 = arith.addf %add3A, %dot_general3A_25 : vector<2000x256xf32>
    %get3A_27 = arith.constant 0 : index
    %get3A_28 = arith.constant 0 : index
    %get3A_29 = vector.load %arg7[%get3A_27, %get3A_28] : memref<1x256xf32, #tpu.memory_space<vmem>>, vector<1x256xf32>
    %add3A_30 = vector.broadcast %get3A_29 : vector<1x256xf32> to vector<2000x256xf32>
    %add3A_31 = arith.addf %add3A_26, %add3A_30 : vector<2000x256xf32>
    %logistic3A = arith.negf %add3A_31 : vector<2000x256xf32>
    %logistic3A_32 = math.exp %logistic3A : vector<2000x256xf32>
    %logistic3A_33 = arith.constant 1.000000e+00 : f32
    %logistic3A_34 = vector.broadcast %logistic3A_33 : f32 to vector<2000x256xf32>
    %logistic3A_35 = arith.addf %logistic3A_34, %logistic3A_32 : vector<2000x256xf32>
    %logistic3A_36 = arith.divf %logistic3A_34, %logistic3A_35 : vector<2000x256xf32>
    %mul3A = arith.mulf %add3A_31, %logistic3A_36 : vector<2000x256xf32>
    %get3A_37 = arith.constant 0 : index
    %get3A_38 = arith.constant 0 : index
    %get3A_39 = vector.load %arg8[%get3A_37, %get3A_38] : memref<256x256xf32, #tpu.memory_space<vmem>>, vector<256x256xf32>
    %dot_general3A_40 = arith.constant dense<0.000000e+00> : vector<2000x256xf32>
    %dot_general3A_41 = tpu.matmul %mul3A, %get3A_39, %dot_general3A_40 {dimension_numbers = #tpu.dot_dimension_numbers<[1], [0], [0], [1], [0, 0, 1, 1], [], []>, transpose_lhs_hint = false} : vector<2000x256xf32>, vector<256x256xf32>, vector<2000x256xf32> -> vector<2000x256xf32>
    %add3A_42 = arith.addf %get3A_1, %dot_general3A_41 : vector<2000x256xf32>
    %get3A_43 = arith.constant 0 : index
    %get3A_44 = arith.constant 0 : index
    %get3A_45 = vector.load %arg9[%get3A_43, %get3A_44] : memref<1x256xf32, #tpu.memory_space<vmem>>, vector<1x256xf32>
    %add3A_46 = vector.broadcast %get3A_45 : vector<1x256xf32> to vector<2000x256xf32>
    %add3A_47 = arith.addf %add3A_42, %add3A_46 : vector<2000x256xf32>
    %swap3A = arith.constant 0 : index
    %swap3A_48 = arith.constant 0 : index
    %swap3A_49 = vector.load %arg10[%swap3A, %swap3A_48] : memref<2000x256xf32, #tpu.memory_space<vmem>>, vector<2000x256xf32>
    tpu.vector_store %arg10[%swap3A, %swap3A_48], %add3A_47 {strides = array<i32>} : memref<2000x256xf32, #tpu.memory_space<vmem>>, vector<2000x256xf32>,
    return
  }
  func.func @transform_0(%arg0: i32) -> (i32, i32) {
    %c0_i32 = arith.constant 0 : i32
    %c0_i32_0 = arith.constant 0 : i32
    return %arg0, %c0_i32 : i32, i32
  }
  func.func @transform_1(%arg0: i32) -> (i32, i32, i32) {
    %c0_i32 = arith.constant 0 : i32
    %c0_i32_0 = arith.constant 0 : i32
    %c0_i32_1 = arith.constant 0 : i32
    return %c0_i32, %arg0, %c0_i32_0 : i32, i32, i32
  }
  func.func @transform_2(%arg0: i32) -> (i32, i32, i32) {
    %c1_i32 = arith.constant 1 : i32
    %c0_i32 = arith.constant 0 : i32
    %c0_i32_0 = arith.constant 0 : i32
    return %c1_i32, %arg0, %c0_i32 : i32, i32, i32
  }
  func.func @transform_3(%arg0: i32) -> (i32, i32) {
    %c0_i32 = arith.constant 0 : i32
    %c0_i32_0 = arith.constant 0 : i32
    %c0_i32_1 = arith.constant 0 : i32
    return %c0_i32, %c0_i32_0 : i32, i32
  }
  func.func @transform_4(%arg0: i32) -> (i32, i32) {
    %c0_i32 = arith.constant 0 : i32
    %c0_i32_0 = arith.constant 0 : i32
    %c0_i32_1 = arith.constant 0 : i32
    return %c0_i32, %c0_i32_0 : i32, i32
  }
  func.func @transform_5(%arg0: i32) -> (i32, i32) {
    %c0_i32 = arith.constant 0 : i32
    %c0_i32_0 = arith.constant 0 : i32
    %c0_i32_1 = arith.constant 0 : i32
    return %c0_i32, %c0_i32_0 : i32, i32
  }
  func.func @transform_6(%arg0: i32) -> (i32, i32) {
    %c0_i32 = arith.constant 0 : i32
    %c0_i32_0 = arith.constant 0 : i32
    %c0_i32_1 = arith.constant 0 : i32
    return %c0_i32, %c0_i32_0 : i32, i32
  }
  func.func @transform_7(%arg0: i32) -> (i32, i32) {
    %c0_i32 = arith.constant 0 : i32
    %c0_i32_0 = arith.constant 0 : i32
    %c0_i32_1 = arith.constant 0 : i32
    return %c0_i32, %c0_i32_0 : i32, i32
  }
  func.func @transform_8(%arg0: i32) -> (i32, i32) {
    %c0_i32 = arith.constant 0 : i32
    %c0_i32_0 = arith.constant 0 : i32
    %c0_i32_1 = arith.constant 0 : i32
    return %c0_i32, %c0_i32_0 : i32, i32
  }
  func.func @transform_9(%arg0: i32) -> (i32, i32) {
    %c0_i32 = arith.constant 0 : i32
    %c0_i32_0 = arith.constant 0 : i32
    return %arg0, %c0_i32 : i32, i32
  }
}

</mosaic_0001>

<sc_bundles>
// kernel: kernel.10.cloned.1.call-start
scs
__scs_entry_jumppad:
0x0: {  	(pc) =	sbr.rel $0x88, $3  }
0x1: {  	(tag) =	ssettag $0x0;
	lr =	simm.s32 $0x1  }
0x2: {  	[smem:$0x3F96] =	sst lr;
	_ =	strace $0xD0000000  }
0x3: {  	_ = 	snop  }
0x4: {  	_ = 	snop  }
0x5: {  	_ = 	snop  }
0x6: {  	_ = 	snop  }
0x7: {  	_ = 	snop  }
__scs_overlays_trampoline_lowered:
0x8: {  	[smem:$0x3FA5] =	sst s0  }
0x9: {  	[smem:$0x3FA6] =	sst s1  }
0xa: {  	[smem:$0x3FA7] =	sst s2  }
0xb: {  	[smem:$0x3FA8] =	sst s3  }
0xc: {  	[smem:$0x3FA9] =	sst s4  }
0xd: {  	[smem:$0x3FAA] =	sst s5  }
0xe: {  	[smem:$0x3FAB] =	sst s6  }
0xf: {  	[smem:$0x3FAC] =	sst s7  }
0x10: {  	[smem:$0x3FAD] =	sst s8  }
0x11: {  	[smem:$0x3FAE] =	sst s9;
	s0 =	simm.s32 @!p0 $0x0  }
0x12: {  	s1 =	sld [smem:$0x3F94];
	s0 =	simm.s32 @p0 $0x1  }
0x13: {  	[smem:$0x3FAF] =	sst s0;
	s0 =	simm.s32 @!p1 $0x0  }
0x14: {  	s2 =	sld [smem:$0x3F93];
	s0 =	simm.s32 @p1 $0x1  }
0x15: {  	[smem:$0x3FB0] =	sst s0;
	s0 =	simm.s32 @!p2 $0x0  }
0x16: {  	s3 =	sld [smem:$0x3FDB];
	s0 =	simm.s32 @p2 $0x1  }
0x17: {  	s4 =	simm.s32 $0x1BF5;
	[smem:$0x3FB2] =	sst s0  }
0x18: {  	s0 =	sld [smem:$0x3F95];
	_ =	swait.ge [sflag:s4], $0x0  }
0x19: {  	s7 =	sld [smem:$0x3F96]  }
0x1a: {  	s8 =	sadd.s32 $0xFFFFE003, lr  }
0x1b: {  	s9 =	sadd.s32 $0xFFFFFEF7, lr;
	s5 =	simm.s32 $0xFFFFFFFF;
	p2 =	slt.u32 s8, $0xFFFFF086  }
0x1c: {  	p1 =	slt.u32 s9, $0xF7A;
	s5 =	simm.s32 @!p2 $0x0  }
0x1d: {  	s5 =	simm.s32 @p1 $0x1;
	p0 =	seq.s32 s7, s2  }
0x1e: {  	s7 =	smul.u32 @!p0 $0xF7A, s2;
	p2 =	seq.s32 @!p0 s5, $0x0  }
0x1f: {  	s9 =	smul.u32 $0xF7A, s1;
	s8 =	simm.s32 @!p0 $0x1BF5;
	p2 =	por !p2, p0  }
0x20: {  	[sflag:s8] =	ssyncset.s32 @!p0 $0xFFFFF086;
	s6 =	sadd.s32 @!p0 s3, s7;
	s7 =	simm.s32 @!p0 $0x108  }
0x21: {  	s3 =	sadd.s32 s3, s9;
	s6 =	sadd.s32 @!p0 $0x88, s6;
	s7 =	simm.s32 @p2 $0x1082  }
0x22: {  	[simem:s7], [sflag:s8] =	dma.local @!p0 [hbm:s6], $0xF7A  }
0x23: {  	s9 =	sor.u32 $0xD0000000, s2;
	s6 =	simm.s32 $0x108;
	_ =	swait.ge @!p0 [sflag:s8], $0x0  }
0x24: {  	s3 =	sadd.s32 $0x88, s3;
	s6 =	simm.s32 @!p1 $0x1082;
	[sflag:s4] =	ssyncset.s32 $0xFFFFF086  }
0x25: {  	[simem:s6], [sflag:s4] =	dma.local [hbm:s3], $0xF7A  }
0x26: {  	[smem:$0x3F96] =	sst s1;
	(tag) =	ssettag s2;
	_ =	strace s9  }
0x27: {  	s1 =	sld [smem:$0x3FA6]  }
0x28: {  	s2 =	sld [smem:$0x3FA7]  }
0x29: {  	s4 =	sld [smem:$0x3FA9]  }
0x2a: {  	p0 =	seq.s32 s5, $0x0;
	s5 =	sld [smem:$0x3FAA]  }
0x2b: {  	s6 =	sld [smem:$0x3FAB]  }
0x2c: {  	s7 =	sld [smem:$0x3FAC]  }
0x2d: {  	s3 =	simm.s32 $0x108;
	s8 =	sld [smem:$0x3FAD]  }
0x2e: {  	s3 =	simm.s32 @!p0 $0x1082;
	s9 =	sld [smem:$0x3FAE]  }
0x2f: {  	lr =	sadd.s32 s0, s3;
	s0 =	sld [smem:$0x3FA5]  }
0x30: {  	s3 =	sld [smem:$0x3FA8]  }
0x31: {  	[smem:$0x3FB1] =	sst s10  }
0x32: {  	s10 =	sld [smem:$0x3FAF];
	_ =	sdelay $0x3  }
0x33: {  	p0 =	seq.s32 s10, $0x1;
	s10 =	sld [smem:$0x3FB1];
	_ =	sdelay $0x3  }
0x34: {  	[smem:$0x3FB1] =	sst s10  }
0x35: {  	s10 =	sld [smem:$0x3FB0];
	_ =	sdelay $0x3  }
0x36: {  	p1 =	seq.s32 s10, $0x1;
	s10 =	sld [smem:$0x3FB1];
	_ =	sdelay $0x3  }
0x37: {  	[smem:$0x3FB1] =	sst s10  }
0x38: {  	s10 =	sld [smem:$0x3FB2]  }
0x39: {  	_ = 	snop;
	(pc) =	sbr.ind lr, $3  }
0x3a: {  	_ = 	snop  }
0x3b: {  	_ = 	snop  }
0x3c: {  	p2 =	seq.s32 s10, $0x1;
	s10 =	sld [smem:$0x3FB1]  }
0x3d: {  	_ =	shalt  }
0x3e: {  	_ =	shalt  }
0x3f: {  	_ =	shalt  }
0x40: {  	_ =	shalt  }
0x41: {  	_ =	shalt  }
0x42: {  	_ =	shalt  }
0x43: {  	_ =	shalt  }
0x44: {  	_ =	shalt  }
0x45: {  	_ =	shalt  }
0x46: {  	_ =	shalt  }
0x47: {  	_ =	shalt  }
0x48: {  	_ =	shalt  }
0x49: {  	_ =	shalt  }
0x4a: {  	_ =	shalt  }
0x4b: {  	_ =	shalt  }
0x4c: {  	_ =	shalt  }
0x4d: {  	_ =	shalt  }
0x4e: {  	_ =	shalt  }
0x4f: {  	_ =	shalt  }
0x50: {  	_ =	shalt  }
0x51: {  	_ =	shalt  }
0x52: {  	_ =	shalt  }
0x53: {  	_ =	shalt  }
0x54: {  	_ =	shalt  }
0x55: {  	_ =	shalt  }
0x56: {  	_ =	shalt  }
0x57: {  	_ =	shalt  }
0x58: {  	_ =	shalt  }
0x59: {  	_ =	shalt  }
0x5a: {  	_ =	shalt  }
0x5b: {  	_ =	shalt  }
0x5c: {  	_ =	shalt  }
0x5d: {  	_ =	shalt  }
0x5e: {  	_ =	shalt  }
0x5f: {  	_ =	shalt  }
0x60: {  	_ =	shalt  }
0x61: {  	_ =	shalt  }
0x62: {  	_ =	shalt  }
0x63: {  	_ =	shalt  }
0x64: {  	_ =	shalt  }
0x65: {  	_ =	shalt  }
0x66: {  	_ =	shalt  }
0x67: {  	_ =	shalt  }
0x68: {  	_ =	shalt  }
0x69: {  	_ =	shalt  }
0x6a: {  	_ =	shalt  }
0x6b: {  	_ =	shalt  }
0x6c: {  	_ =	shalt  }
0x6d: {  	_ =	shalt  }
0x6e: {  	_ =	shalt  }
0x6f: {  	_ =	shalt  }
0x70: {  	_ =	shalt  }
0x71: {  	_ =	shalt  }
0x72: {  	_ =	shalt  }
0x73: {  	_ =	shalt  }
0x74: {  	_ =	shalt  }
0x75: {  	_ =	shalt  }
0x76: {  	_ =	shalt  }
0x77: {  	_ =	shalt  }
0x78: {  	_ =	shalt  }
0x79: {  	_ =	shalt  }
0x7a: {  	_ =	shalt  }
0x7b: {  	_ =	shalt  }
0x7c: {  	_ =	shalt  }
0x7d: {  	_ =	shalt  }
0x7e: {  	_ =	shalt  }
0x7f: {  	_ =	shalt  }
0x80: {  	_ =	shalt  }
0x81: {  	_ =	shalt  }
0x82: {  	_ =	shalt  }
0x83: {  	_ =	shalt  }
0x84: {  	_ =	shalt  }
0x85: {  	_ =	shalt  }
0x86: {  	_ =	shalt  }
0x87: {  	_ =	shalt  }
.Lfunc_end0:
.L_simem_size_0:
called_computation.1_lowered:
.L_overlay_start_0:
0x88: {  	s2 =	sld [smem:$0x3FD9]  }
0x89: {  	s3 =	sld [smem:$0x3FFE];
	_ =	sdelay $0x1  }
0x8a: {  	s1 =	srdreg.scid  }
0x8b: {  	s0 =	sand.u32 $0x1, s1  }
0x8c: {  	s14 =	sshll.u32 s0, $0xA;
	s2 =	sadd.s32 s3, s2  }
0x8d: {  	s2 =	sadd.s32 s2, s14  }
0x8e: {  	[smem:$0x3FBD] =	sst s2  }
0x8f: {  	_ = 	snop  }
0x90: {  	s2 =	sld [smem:$0x3FD0];
	_ =	sdelay $0x2  }
0x91: {  	s15 =	simm.s32 $0xA;
	s4 =	simm.s32 $0x10  }
0x92: {  	[smem:s4], [sflag:s15] =	dma.local [hbm:s2], $0x1  }
0x93: {  	_ =	swait.eq [sflag:s15], $0x1  }
0x94: {  	[sflag:s15] =	ssyncset.done $0x0  }
0x95: {  	s16 =	sld [smem:$0x10];
	[sflag:s15] =	ssyncadd.s32 $0xFFFFFFFF  }
0x96: {  	s17 =	sld [smem:$0x11];
	(tm) =	ssettm $0x1  }
0x97: {  	s18 =	sld [smem:$0x3FFB];
	_ =	sdelay $0x3  }
0x98: {  	_ =	strace s18  }
0x99: {  	s4 =	sld [smem:$0x3FFC];
	_ =	sdelay $0x3  }
0x9a: {  	_ =	strace s4  }
0x9b: {  	s4 =	sld [smem:$0x3FFD];
	_ =	sdelay $0x3  }
0x9c: {  	_ =	strace s4  }
0x9d: {  	_ =	strace $0x8FFFFFFF  }
0x9e: {  	s19 =	sld [smem:$0x3FDB];
	_ =	sdelay $0x1  }
0x9f: {  	s5 =	simm.s32 $_scs_section_size  }
0xa0: {  	s6 =	simm.s32 $_size__tile_overlayer_lowered;
	s7 =	simm.s32 $_tile_overlayer_lowered  }
0xa1: {  	s22 =	simm.s32 $0x1BFF;
	s21 =	sshll.u32 s7, $0x1;
	s4 =	sadd.s32 s5, s19  }
0xa2: {  	s8 =	simm.s32 $0x0;
	s20 =	sshll.u32 s6, $0x1;
	s6 =	sadd.s32 s21, s4  }
0xa3: {  	[timem:s8], [sflag:s22] =	dma.local [hbm:s6], s20  }
0xa4: {  	_ =	swait.ge [sflag:s22], s20  }
0xa5: {  	s5 =	ssub.s32 $0x0, s20;
	[sflag:s22] =	ssyncset.done $0x0  }
0xa6: {  	[sflag:s22] =	ssyncadd.s32 s5;
	_ =	sdelay $0x1  }
0xa7: {  	s23 =	simm.s32 $0x1B8B  }
0xa8: {  	_ =	swait.ge [sflag:s23], $0x1  }
0xa9: {  	[sflag:s23] =	ssyncset.done $0x0  }
0xaa: {  	s25 =	simm.s32 $0x1B8E;
	s24 =	sld [smem:$0x3FFE];
	[sflag:s23] =	ssyncadd.s32 $0xFFFFFFFF  }
0xab: {  	s26 =	simm.s32 $execute0_lowered;
	[smem:$0x3FD2] =	sst s25  }
0xac: {  	s6 =	sshll.u32 s26, $0x1;
	_ =	strace $0x80000049;
	[dreg:$0x1] =	wrdreg $0xFFFFFFFF  }
0xad: {  	s28 =	simm.s32 $_size_execute0_lowered;
	s4 =	sadd.s32 s4, s6;
	[dreg:$0x0] =	wrdreg $0x0  }
0xae: {  	s6 =	sshll.u32 s28, $0x1;
	[dreg:$0x2] =	wrdreg s4  }
0xaf: {  	[dreg:$0x3] =	wrdreg s6  }
0xb0: {  	[dreg:$0x4] =	wrdreg $0xC0  }
0xb1: {  	_ =	task [dreg:s8], $0x5FFFF  }
0xb2: {  	[dreg:$0x1] =	wrdreg $0xFFFFFFFF  }
0xb3: {  	[dreg:$0x0] =	wrdreg $0x60  }
0xb4: {  	[dreg:$0x2] =	wrdreg s17  }
0xb5: {  	[dreg:$0x3] =	wrdreg s24  }
0xb6: {  	[dreg:$0x4] =	wrdreg s16  }
0xb7: {  	[dreg:$0x5] =	wrdreg $0xA5800  }
0xb8: {  	[dreg:$0x6] =	wrdreg $0x9  }
0xb9: {  	_ =	task.clear_ibuf [dreg:s8], $0x7FFFF;
	_ =	strace $0x90000049  }
0xba: {  	s29 =	simm.s32 $0x9;
	_ =	strace $0x8000004B  }
0xbb: {  	_ =	swait.ge [sflag:s29], $0x1  }
0xbc: {  	[sflag:s29] =	ssyncadd.s32 $0xFFFFFFFF  }
0xbd: {  	_ =	strace $0x9000004B  }
0xbe: {  	_ =	sfence  }
0xbf: {  	s30 =	sld [smem:$0x0];
	_ =	sdelay $0x2  }
0xc0: {  	s31 =	sshll.u32 s1, $0xD;
	s1 =	sshrl.u32 s1, $0x2  }
0xc1: {  	s3 =	sand.u32 $0x4000, s31;
	s1 =	sadd.s32 s1, s30  }
0xc2: {  	s0 =	sor.u32 s3, s0;
	s1 =	sshll.u32 s1, $0x11  }
0xc3: {  	s0 =	sor.u32 s1, s0  }
0xc4: {  	s0 =	sadd.s32 $0x8F2B, s0  }
0xc5: {  	[sflag:s0] =	ssyncadd.remote.s32 $0x1  }
0xc6: {  	_ =	sfence.sel $0xFFFF  }
0xc7: {  	[dreg:$0x0] =	wrdreg $0xFFFFFFFF;
	(pc) =	sbr.abs _section_cstart, $3  }
0xc8: {  	[dreg:$0x1] =	wrdreg $0xFFFFFFFF  }
0xc9: {  	_ =	task.clear_ibuf [dreg:s8], $0x2FFFF;
	_ =	strace $0x9FFFFFFF  }
0xca: {  	(tm) =	ssettm $0x7FFFFFFF  }
0xcb: {  	_ =	shalt  }
tec
execute0_lowered:
.L_overlay_start_1:
0x0: {  	(tag) =	ssettag $0x1  }
0x1: {  	s1 =	rddreg [dreg:$0x0]  }
0x2: {  	s0 =	rddreg [dreg:$0x1]  }
0x3: {  	s2 =	rddreg [dreg:$0x2]  }
0x4: {  	s3 =	rddreg [dreg:$0x3];
	s15 =	stileid.u32  }
0x5: {  	s5 =	srdreg.scid;
	s4 =	simm.s32 $0x0;
	s6 =	smul.u32 $0x4E000, s15  }
0x6: {  	s28 =	simm.s32 $0x800;
	s29 =	simm.s32 $0x100;
	s14 =	smul.u32 $0x271000, s15  }
0x7: {  	s30 =	simm.s32 $0x80;
	s31 =	simm.s32 $0x3500;
	s16 =	smul.u32 $0x2710, s15  }
0x8: {  	s7 =	sand.u32 $0x1, s5;
	[smem:$0x7FF] =	sst s4;
	s21 =	smul.u32 $0x13800, s15  }
0x9: {  	s0 =	sadd.s32 $0x7E00, s0;
	s24 =	smul.u32 $0x4E2, s15;
	s9 =	sshrl.u32 s6, $0x2  }
0xa: {  	p0 =	sne.s32 s15, $0xF;
	s8 =	ssub.s32 $0x2, s7;
	s5 =	sadd.s32 s9, s3  }
0xb: {  	_ =	strace $0x8000004A;
	s10 =	sshrl.u32 s8, $0x1;
	s11 =	sadd.s32 $0x3400, s5  }
0xc: {  	s6 =	ssub.s32 s8, s10;
	s12 =	sadd.s32 $0x6800, s5;
	[dreg:$0x5] =	wrdreg s11  }
0xd: {  	s10 =	sshll.u32 s7, $0xA;
	s13 =	sadd.s32 $0x9C00, s5;
	[dreg:$0x6] =	wrdreg s12  }
0xe: {  	s7 =	smul.u32 $0x138800, s7;
	s9 =	sadd.s32 $0xD000, s5;
	[dreg:$0x7] =	wrdreg s13  }
0xf: {  	s8 =	sor.u32 s10, s14;
	s14 =	sadd.s32 $0x68, s16;
	[dreg:$0x8] =	wrdreg s9  }
0x10: {  	s11 =	sadd.s32 $0x10400, s5;
	s12 =	sshrl.u32 s16, $0x3;
	s13 =	sshrl.u32 s8, $0x3  }
0x11: {  	s18 =	sshrl.u32 s14, $0x3;
	s19 =	sshll.u32 s14, $0x8;
	s9 =	sadd.s32 $0x2700, s16  }
0x12: {  	s23 =	sadd.s32 s21, s7;
	s7 =	sshrl.u32 s7, $0x3;
	s25 =	sadd.s32 $0x13800, s8  }
0x13: {  	[dreg:$0x9] =	wrdreg s11;
	s11 =	sadd.s32 $0x138000, s3;
	s12 =	sadd.s32 s0, s12  }
0x14: {  	s17 =	sadd.s32 s1, s13;
	s20 =	sshll.u32 s9, $0x8;
	s9 =	sshrl.u32 s9, $0x3  }
0x15: {  	s26 =	sshrl.u32 s25, $0x3;
	s25 =	simm.s32 $0x5;
	[dreg:$0xa] =	wrdreg s12  }
0x16: {  	[dreg:$0xb] =	wrdreg s17;
	s12 =	sadd.s32 s0, s18;
	s9 =	sadd.s32 s0, s9  }
0x17: {  	s0 =	sadd.s32 s24, s0;
	s21 =	sadd.s32 s26, s1;
	s24 =	simm.s32 $0x7180  }
0x18: {  	s26 =	simm.s32 $0x400;
	[dreg:$0xc] =	wrdreg s12;
	s12 =	sor.u32 s10, s19  }
0x19: {  	s10 =	sor.u32 s10, s20;
	[dreg:$0xe] =	wrdreg s9;
	s9 =	sshrl.u32 s23, $0x3  }
0x1a: {  	s20 =	smax.u32 s6, $0x1;
	s23 =	sadd.s32 $0xD000, s8;
	s6 =	simm.s32 $0x2  }
0x1b: {  	s8 =	simm.s32 $0x4;
	s12 =	sshrl.u32 s12, $0x3;
	s10 =	sshrl.u32 s10, $0x3  }
0x1c: {  	s9 =	sadd.s32 s2, s9;
	s2 =	sadd.s32 s2, s7;
	s7 =	simm.s32 $0x3  }
0x1d: {  	s12 =	sadd.s32 s1, s12;
	s22 =	sadd.s32 s1, s10;
	[dreg:$0x10] =	wrdreg s9  }
0x1e: {  	s19 =	sadd.s32 $0x27000, s2;
	s2 =	simm.s32 $0x1;
	[dreg:$0xd] =	wrdreg s12  }
0x1f: {  	s9 =	simm.s32 $0x6900;
	s10 =	simm.s32 $0x6980;
	[dreg:$0xf] =	wrdreg s22  }
0x20: {  	v0 =	vimm.f32 $0.0e+00;
	s22 =	sadd.s32 $0x27, s0;
	s0 =	simm.s32 $0x68;
	s12 =	simm.s32 $0x0  }
.LBB2_1:
0x21: {  	s13 =	simm.s32 $0x0;
	s14 =	simm.s32 $0x200  }
.LBB2_2:
0x22: {  	p1 =	sne.s32 s14, $0xCE00;
	[tilespmem:s13+$0x71F0] =	vst v0  }
0x23: {  	[tilespmem:s13+$0x7180] =	vst v0  }
0x24: {  	[tilespmem:s13+$0x7190] =	vst v0  }
.Ltmp0:
0x25: {  	[tilespmem:s13+$0x71A0] =	vst v0;
	(pc) =	sbr.rel @p1 .LBB2_2-.Ltmp0, $4  }
0x26: {  	[tilespmem:s13+$0x71B0] =	vst v0  }
0x27: {  	[tilespmem:s13+$0x71C0] =	vst v0  }
0x28: {  	[tilespmem:s13+$0x71D0] =	vst v0  }
0x29: {  	[tilespmem:s13+$0x71E0] =	vst v0;
	s13 =	sshra.s32 s14, $0x2;
	s14 =	sadd.s32 $0x200, s14  }
0x2a: {  	[tilespmem:s13+$0x71F0] =	vst v0  }
0x2b: {  	[tilespmem:s13+$0x7180] =	vst v0  }
0x2c: {  	[tilespmem:s13+$0x7190] =	vst v0  }
0x2d: {  	[tilespmem:s13+$0x71A0] =	vst v0  }
0x2e: {  	[tilespmem:s13+$0x71B0] =	vst v0  }
0x2f: {  	[tilespmem:s13+$0x71C0] =	vst v0  }
0x30: {  	[tilespmem:s13+$0x71D0] =	vst v0  }
0x31: {  	[tilespmem:s13+$0x71E0] =	vst v0  }
0x32: {  	[spmem:s5] =	stream.linear.scatter [tilespmem:s24], [sflag:$0x5], $0x3400, $0x38;
	[tilespmem:$0x1DE00] =	vst v63  }
0x33: {  	_ =	swait.ge [sflag:s25], $0x3400  }
0x34: {  	[sflag:s25] =	ssyncset.done $0x0  }
0x35: {  	s16 =	rddreg [dreg:$0x5];
	[sflag:s25] =	ssyncadd.s32 $0xFFFFCC00  }
0x36: {  	[spmem:s16] =	stream.linear.scatter [tilespmem:s24], [sflag:$0x5], $0x3400, $0x38;
	[tilespmem:$0x1DE00] =	vst v63  }
0x37: {  	_ =	swait.ge [sflag:s25], $0x3400  }
0x38: {  	[sflag:s25] =	ssyncset.done $0x0  }
0x39: {  	s17 =	rddreg [dreg:$0x6];
	[sflag:s25] =	ssyncadd.s32 $0xFFFFCC00  }
0x3a: {  	[spmem:s17] =	stream.linear.scatter [tilespmem:s24], [sflag:$0x5], $0x3400, $0x38;
	[tilespmem:$0x1DE00] =	vst v63  }
0x3b: {  	_ =	swait.ge [sflag:s25], $0x3400  }
0x3c: {  	[sflag:s25] =	ssyncset.done $0x0  }
0x3d: {  	s18 =	rddreg [dreg:$0x7];
	[sflag:s25] =	ssyncadd.s32 $0xFFFFCC00  }
0x3e: {  	[spmem:s18] =	stream.linear.scatter [tilespmem:s24], [sflag:$0x5], $0x3400, $0x38;
	[tilespmem:$0x1DE00] =	vst v63  }
0x3f: {  	_ =	swait.ge [sflag:s25], $0x3400  }
0x40: {  	[sflag:s25] =	ssyncset.done $0x0  }
0x41: {  	s14 =	rddreg [dreg:$0x8];
	[sflag:s25] =	ssyncadd.s32 $0xFFFFCC00  }
0x42: {  	[spmem:s14] =	stream.linear.scatter [tilespmem:s24], [sflag:$0x5], $0x3400, $0x38;
	[tilespmem:$0x1DE00] =	vst v63  }
0x43: {  	_ =	swait.ge [sflag:s25], $0x3400  }
0x44: {  	[sflag:s25] =	ssyncset.done $0x0  }
0x45: {  	s15 =	rddreg [dreg:$0x9];
	[sflag:s25] =	ssyncadd.s32 $0xFFFFCC00  }
0x46: {  	[spmem:s15] =	stream.linear.scatter [tilespmem:s24], [sflag:$0x5], $0x3400, $0x38;
	[tilespmem:$0x1DE00] =	vst v63  }
0x47: {  	_ =	swait.ge [sflag:s25], $0x3400  }
0x48: {  	[sflag:s25] =	ssyncset.done $0x0  }
0x49: {  	s13 =	simm.s32 @!p0 $0x7180;
	[sflag:s25] =	ssyncadd.s32 $0xFFFFCC00  }
0x4a: {  	[spmem:s11] =	stream.linear.scatter @!p0 [tilespmem:s13], [sflag:$0x5], $0x800, $0x38;
	[tilespmem:$0x1DE00] =	vst v63  }
0x4b: {  	s13 =	simm.s32 @!p0 $0x5  }
0x4c: {  	_ =	swait.ge @!p0 [sflag:s13], $0x800  }
0x4d: {  	[sflag:s13] =	ssyncset.done @!p0 $0x0  }
0x4e: {  	[sflag:s13] =	ssyncadd.s32 @!p0 $0xFFFFF800  }
0x4f: {  	[bflag:$0x0] =	sbarrier.arrive $0xFFFF  }
0x50: {  	s16 =	simm.s32 $0x0;
	s14 =	rddreg [dreg:$0xa]  }
0x51: {  	[tilespmem:s16], [sflag:$0x1] =	stream.linear.gather [hbm4b:s14+s16], $0x68, $0x38;
	[tilespmem:$0x1DE00] =	vst v63  }
0x52: {  	s17 =	rddreg [dreg:$0xb]  }
0x53: {  	[tilespmem:s29], [sflag:$0x1] =	stream.strided.gather [hbm4b:s17+s26], $0x3400, s28, s26, $0x38;
	[tilespmem:$0x1DE00] =	vst v63  }
0x54: {  	s18 =	rddreg [dreg:$0xc]  }
0x55: {  	[tilespmem:s30], [sflag:$0x2] =	stream.linear.gather [hbm4b:s18+s16], $0x68, $0x38;
	[tilespmem:$0x1DE00] =	vst v63  }
0x56: {  	s15 =	rddreg [dreg:$0xd]  }
0x57: {  	[tilespmem:s31], [sflag:$0x2] =	stream.strided.gather [hbm4b:s15+s26], $0x3400, s28, s26, $0x38;
	[tilespmem:$0x1DE00] =	vst v63  }
0x58: {  	_ =	swait.ge [sflag:s2], $0x68  }
0x59: {  	[sflag:s2] =	ssyncset.done $0x0  }
0x5a: {  	[sflag:s2] =	ssyncadd.s32 $0xFFFFFF98  }
0x5b: {  	_ =	swait.ge [sflag:s2], $0x3400  }
0x5c: {  	[sflag:s2] =	ssyncset.done $0x0  }
0x5d: {  	[sflag:s2] =	ssyncadd.s32 $0xFFFFCC00  }
0x5e: {  	[spmem:s3] =	stream.indirect.scatter.add.f32 [tilespmem:s29], [sflag:$0x3], $0x80, s4, s0, $0xb8;
	[tilespmem:$0x1DE00] =	vst v63  }
0x5f: {  	_ =	swait.ge [sflag:s6], $0x68  }
0x60: {  	[sflag:s6] =	ssyncset.done $0x0  }
0x61: {  	[sflag:s6] =	ssyncadd.s32 $0xFFFFFF98  }
0x62: {  	_ =	swait.ge [sflag:s6], $0x3400  }
0x63: {  	[sflag:s6] =	ssyncset.done $0x0  }
0x64: {  	[sflag:s6] =	ssyncadd.s32 $0xFFFFCC00  }
0x65: {  	[spmem:s3] =	stream.indirect.scatter.add.f32 [tilespmem:s31], [sflag:$0x4], $0x80, s30, s0, $0xb8;
	[tilespmem:$0x1DE00] =	vst v63  }
0x66: {  	_ =	swait.ge [sflag:s7], $0x3400  }
0x67: {  	[sflag:s7] =	ssyncset.done $0x0  }
0x68: {  	s17 =	sshrl.u32 s23, $0x3;
	s16 =	sadd.s32 $0xFFFFFFF3, s22;
	[sflag:s7] =	ssyncadd.s32 $0xFFFFCC00  }
0x69: {  	[tilespmem:s4], [sflag:$0x1] =	stream.linear.gather [hbm4b:s16+s4], $0x68, $0x38;
	[tilespmem:$0x1DE00] =	vst v63  }
0x6a: {  	s18 =	sadd.s32 s1, s17  }
0x6b: {  	[tilespmem:s29], [sflag:$0x1] =	stream.strided.gather [hbm4b:s18+s26], $0x3400, s28, s26, $0x38;
	[tilespmem:$0x1DE00] =	vst v63  }
0x6c: {  	_ =	swait.ge [sflag:s8], $0x3400  }
0x6d: {  	s13 =	simm.s32 $0x1A00;
	s14 =	sadd.s32 $0x1A, s22;
	[sflag:s8] =	ssyncset.done $0x0  }
0x6e: {  	s15 =	sadd.s32 $0xD000, s23;
	s16 =	sadd.s32 $0x0, s21;
	[sflag:s8] =	ssyncadd.s32 $0xFFFFCC00  }
0x6f: {  	[tilespmem:s30], [sflag:$0x2] =	stream.linear.gather [hbm4b:s22+s4], $0x68, $0x38;
	[tilespmem:$0x1DE00] =	vst v63  }
.LBB2_4:
0x70: {  	[tilespmem:s31], [sflag:$0x2] =	stream.strided.gather [hbm4b:s16+s26], $0x3400, s28, s26, $0x38;
	[tilespmem:$0x1DE00] =	vst v63  }
0x71: {  	s16 =	smov.u32 s13  }
0x72: {  	p1 =	sne.s32 s13, $0x4AC00;
	s13 =	sadd.s32 $0x1A00, s13;
	_ =	swait.ge [sflag:s2], $0x68  }
0x73: {  	[sflag:s2] =	ssyncset.done $0x0  }
0x74: {  	[sflag:s2] =	ssyncadd.s32 $0xFFFFFF98  }
0x75: {  	_ =	swait.ge [sflag:s2], $0x3400  }
0x76: {  	[sflag:s2] =	ssyncset.done $0x0  }
0x77: {  	[sflag:s2] =	ssyncadd.s32 $0xFFFFCC00  }
0x78: {  	[spmem:s3] =	stream.indirect.scatter.add.f32 [tilespmem:s29], [sflag:$0x3], $0x80, s4, s0, $0xb8;
	[tilespmem:$0x1DE00] =	vst v63  }
0x79: {  	_ =	swait.ge [sflag:s6], $0x68  }
0x7a: {  	[sflag:s6] =	ssyncset.done $0x0  }
0x7b: {  	[sflag:s6] =	ssyncadd.s32 $0xFFFFFF98  }
0x7c: {  	_ =	swait.ge [sflag:s6], $0x3400  }
0x7d: {  	[sflag:s6] =	ssyncset.done $0x0  }
0x7e: {  	[sflag:s6] =	ssyncadd.s32 $0xFFFFCC00  }
0x7f: {  	[spmem:s3] =	stream.indirect.scatter.add.f32 [tilespmem:s31], [sflag:$0x4], $0x80, s30, s0, $0xb8;
	[tilespmem:$0x1DE00] =	vst v63  }
0x80: {  	_ =	swait.ge [sflag:s7], $0x3400  }
0x81: {  	[sflag:s7] =	ssyncset.done $0x0  }
0x82: {  	s17 =	sadd.s32 $0xFFFFFFF3, s14;
	s18 =	sshrl.u32 s15, $0x3;
	[sflag:s7] =	ssyncadd.s32 $0xFFFFCC00  }
0x83: {  	[tilespmem:s4], [sflag:$0x1] =	stream.linear.gather [hbm4b:s17+s4], $0x68, $0x38;
	[tilespmem:$0x1DE00] =	vst v63  }
0x84: {  	s17 =	sadd.s32 s1, s18  }
0x85: {  	[tilespmem:s29], [sflag:$0x1] =	stream.strided.gather [hbm4b:s17+s26], $0x3400, s28, s26, $0x38;
	[tilespmem:$0x1DE00] =	vst v63  }
.Ltmp1:
0x86: {  	_ =	swait.ge [sflag:s8], $0x3400;
	(pc) =	sbr.rel @p1 .LBB2_4-.Ltmp1, $4  }
0x87: {  	[sflag:s8] =	ssyncset.done $0x0  }
0x88: {  	[sflag:s8] =	ssyncadd.s32 $0xFFFFCC00  }
0x89: {  	[tilespmem:s30], [sflag:$0x2] =	stream.linear.gather [hbm4b:s14+s4], $0x68, $0x38;
	[tilespmem:$0x1DE00] =	vst v63  }
0x8a: {  	s15 =	sadd.s32 $0xD000, s15;
	s16 =	sadd.s32 s16, s21;
	s14 =	sadd.s32 $0x1A, s14  }
0x8b: {  	[tilespmem:s31], [sflag:$0x2] =	stream.strided.gather [hbm4b:s16+s26], $0x3400, s28, s26, $0x38;
	[tilespmem:$0x1DE00] =	vst v63  }
0x8c: {  	_ =	swait.ge [sflag:s2], $0x68  }
0x8d: {  	[sflag:s2] =	ssyncset.done $0x0  }
0x8e: {  	[sflag:s2] =	ssyncadd.s32 $0xFFFFFF98  }
0x8f: {  	_ =	swait.ge [sflag:s2], $0x3400  }
0x90: {  	[sflag:s2] =	ssyncset.done $0x0  }
0x91: {  	[sflag:s2] =	ssyncadd.s32 $0xFFFFCC00  }
0x92: {  	[spmem:s3] =	stream.indirect.scatter.add.f32 [tilespmem:s29], [sflag:$0x3], $0x80, s4, s0, $0xb8;
	[tilespmem:$0x1DE00] =	vst v63  }
0x93: {  	_ =	swait.ge [sflag:s6], $0x68  }
0x94: {  	[sflag:s6] =	ssyncset.done $0x0  }
0x95: {  	[sflag:s6] =	ssyncadd.s32 $0xFFFFFF98  }
0x96: {  	_ =	swait.ge [sflag:s6], $0x3400  }
0x97: {  	[sflag:s6] =	ssyncset.done $0x0  }
0x98: {  	[sflag:s6] =	ssyncadd.s32 $0xFFFFCC00  }
0x99: {  	[spmem:s3] =	stream.indirect.scatter.add.f32 [tilespmem:s31], [sflag:$0x4], $0x80, s30, s0, $0xb8;
	[tilespmem:$0x1DE00] =	vst v63  }
0x9a: {  	_ =	swait.ge [sflag:s7], $0x3400  }
0x9b: {  	[sflag:s7] =	ssyncset.done $0x0  }
0x9c: {  	[sflag:s7] =	ssyncadd.s32 $0xFFFFCC00  }
0x9d: {  	_ =	swait.ge [sflag:s8], $0x3400  }
0x9e: {  	[sflag:s8] =	ssyncset.done $0x0  }
0x9f: {  	s13 =	rddreg [dreg:$0xe];
	[sflag:s8] =	ssyncadd.s32 $0xFFFFCC00  }
0xa0: {  	[tilespmem:s9], [sflag:$0x5] =	stream.linear.gather [hbm4b:s13+s4], $0x10, $0x38;
	[tilespmem:$0x1DE00] =	vst v63  }
0xa1: {  	_ =	swait.ge [sflag:s25], $0x10  }
0xa2: {  	[sflag:s25] =	ssyncset.done $0x0  }
0xa3: {  	s16 =	rddreg [dreg:$0xf];
	[sflag:s25] =	ssyncadd.s32 $0xFFFFFFF0  }
0xa4: {  	[tilespmem:s10], [sflag:$0x5] =	stream.strided.gather [hbm4b:s16+s26], $0x800, s28, s26, $0x38;
	[tilespmem:$0x1DE00] =	vst v63  }
0xa5: {  	_ =	swait.ge [sflag:s25], $0x800  }
0xa6: {  	[sflag:s25] =	ssyncset.done $0x0  }
0xa7: {  	s17 =	simm.s32 $0x10;
	[sflag:s25] =	ssyncadd.s32 $0xFFFFF800  }
0xa8: {  	[spmem:s3] =	stream.indirect.scatter.add.f32 [tilespmem:s10], [sflag:$0x5], $0x80, s9, s17, $0xb8;
	[tilespmem:$0x1DE00] =	vst v63  }
0xa9: {  	_ =	swait.ge [sflag:s25], $0x800  }
0xaa: {  	[sflag:s25] =	ssyncset.done $0x0  }
0xab: {  	s18 =	stileid.u32;
	[sflag:s25] =	ssyncadd.s32 $0xFFFFF800  }
0xac: {  	s13 =	sshll.u32 s18, $0x6;
	[bflag:$0x0] =	sbarrier.arrive $0xFFFF  }
0xad: {  	s14 =	sshrl.u32 s5, $0x3;
	s13 =	sor.u32 $0x1C05, s13;
	s15 =	rddreg [dreg:$0x10]  }
0xae: {  	[hbm:s15], [sflag:s13] =	dma.local [spmem:s14], $0x2700  }
0xaf: {  	_ =	swait.ge [sflag:s25], $0x2700  }
0xb0: {  	s12 =	sadd.s32 $0x1, s12;
	[sflag:s25] =	ssyncset.done $0x0  }
0xb1: {  	p1 =	sne.s32 s12, s20;
	s14 =	sshrl.u32 @!p0 s11, $0x3;
	[sflag:s25] =	ssyncadd.s32 $0xFFFFD900  }
0xb2: {  	[hbm:s19], [sflag:s13] =	dma.local @!p0 [spmem:s14], $0x100  }
.Ltmp2:
0xb3: {  	_ = 	snop;
	(pc) =	sbr.rel @p1 .LBB2_1-.Ltmp2, $4  }
0xb4: {  	s13 =	simm.s32 @!p0 $0x5  }
0xb5: {  	_ =	swait.ge @!p0 [sflag:s13], $0x100  }
0xb6: {  	[sflag:s13] =	ssyncset.done @!p0 $0x0  }
0xb7: {  	[sflag:s13] =	ssyncadd.s32 @!p0 $0xFFFFFF00  }
0xb8: {  	_ =	sfence.sel $0x180000  }
0xb9: {  	[bflag:$0x0] =	sbarrier.arrive $0xFFFF  }
0xba: {  	_ =	strace $0x9000004A  }
0xbb: {  	s0 =	stileid.u32;
	[bflag:$0x2] =	sbarrier.arrive $0xFFFF  }
0xbc: {  	p0 =	sne.s32 s0, $0x0;
	s0 =	rddreg [dreg:$0x4]  }
0xbd: {  	s0 =	sadd.s32 @!p0 $0x100000, s0  }
0xbe: {  	[sflag:s0] =	ssyncadd.tile.s32 @!p0 $0x1;
	_ =	shalt  }
.Lfunc_end2:
_tile_overlayer_lowered:
.L_overlay_start_2:
0xbf: {  	(tag) =	ssettag $0x2  }
0xc0: {  	s0 =	rddreg [dreg:$0x0];
	s2 =	stileid.u32  }
0xc1: {  	s1 =	rddreg [dreg:$0x1];
	p0 =	sne.s32 s2, $0x0  }
0xc2: {  	s3 =	rddreg [dreg:$0x2];
	[bflag:$0x3] =	sbarrier.arrive $0xFFFF;
	s2 =	simm.s32 @!p0 $0x1C05  }
0xc3: {  	[timem:s3], [sflag:s2] =	dma.local @!p0 [hbm:s0], s1  }
0xc4: {  	s0 =	simm.s32 @!p0 $0x5  }
0xc5: {  	_ =	swait.ge @!p0 [sflag:s0], s1  }
0xc6: {  	s1 =	ssub.s32 @!p0 $0x0, s1;
	[sflag:s0] =	ssyncset.done @!p0 $0x0  }
0xc7: {  	[sflag:s0] =	ssyncadd.s32 @!p0 s1  }
0xc8: {  	[bflag:$0x3] =	sbarrier.arrive $0xFFFF  }
0xc9: {  	_ =	shalt  }

// kernel: kernel.7.cloned.1.call-start
scs
__scs_entry_jumppad:
0x0: {  	(pc) =	sbr.rel $0x88, $3  }
0x1: {  	(tag) =	ssettag $0x0;
	lr =	simm.s32 $0x1  }
0x2: {  	[smem:$0x3F96] =	sst lr;
	_ =	strace $0xD0000000  }
0x3: {  	_ = 	snop  }
0x4: {  	_ = 	snop  }
0x5: {  	_ = 	snop  }
0x6: {  	_ = 	snop  }
0x7: {  	_ = 	snop  }
__scs_overlays_trampoline_lowered:
0x8: {  	[smem:$0x3FA5] =	sst s0  }
0x9: {  	[smem:$0x3FA6] =	sst s1  }
0xa: {  	[smem:$0x3FA7] =	sst s2  }
0xb: {  	[smem:$0x3FA8] =	sst s3  }
0xc: {  	[smem:$0x3FA9] =	sst s4  }
0xd: {  	[smem:$0x3FAA] =	sst s5  }
0xe: {  	[smem:$0x3FAB] =	sst s6  }
0xf: {  	[smem:$0x3FAC] =	sst s7  }
0x10: {  	[smem:$0x3FAD] =	sst s8  }
0x11: {  	[smem:$0x3FAE] =	sst s9;
	s0 =	simm.s32 @!p0 $0x0  }
0x12: {  	s1 =	sld [smem:$0x3F94];
	s0 =	simm.s32 @p0 $0x1  }
0x13: {  	[smem:$0x3FAF] =	sst s0;
	s0 =	simm.s32 @!p1 $0x0  }
0x14: {  	s2 =	sld [smem:$0x3F93];
	s0 =	simm.s32 @p1 $0x1  }
0x15: {  	[smem:$0x3FB0] =	sst s0;
	s0 =	simm.s32 @!p2 $0x0  }
0x16: {  	s3 =	sld [smem:$0x3FDB];
	s0 =	simm.s32 @p2 $0x1  }
0x17: {  	s4 =	simm.s32 $0x1BF5;
	[smem:$0x3FB2] =	sst s0  }
0x18: {  	s0 =	sld [smem:$0x3F95];
	_ =	swait.ge [sflag:s4], $0x0  }
0x19: {  	s7 =	sld [smem:$0x3F96]  }
0x1a: {  	s8 =	sadd.s32 $0xFFFFE003, lr  }
0x1b: {  	s9 =	sadd.s32 $0xFFFFFEF7, lr;
	s5 =	simm.s32 $0xFFFFFFFF;
	p2 =	slt.u32 s8, $0xFFFFF086  }
0x1c: {  	p1 =	slt.u32 s9, $0xF7A;
	s5 =	simm.s32 @!p2 $0x0  }
0x1d: {  	s5 =	simm.s32 @p1 $0x1;
	p0 =	seq.s32 s7, s2  }
0x1e: {  	s7 =	smul.u32 @!p0 $0xF7A, s2;
	p2 =	seq.s32 @!p0 s5, $0x0  }
0x1f: {  	s9 =	smul.u32 $0xF7A, s1;
	s8 =	simm.s32 @!p0 $0x1BF5;
	p2 =	por !p2, p0  }
0x20: {  	[sflag:s8] =	ssyncset.s32 @!p0 $0xFFFFF086;
	s6 =	sadd.s32 @!p0 s3, s7;
	s7 =	simm.s32 @!p0 $0x108  }
0x21: {  	s3 =	sadd.s32 s3, s9;
	s6 =	sadd.s32 @!p0 $0x88, s6;
	s7 =	simm.s32 @p2 $0x1082  }
0x22: {  	[simem:s7], [sflag:s8] =	dma.local @!p0 [hbm:s6], $0xF7A  }
0x23: {  	s9 =	sor.u32 $0xD0000000, s2;
	s6 =	simm.s32 $0x108;
	_ =	swait.ge @!p0 [sflag:s8], $0x0  }
0x24: {  	s3 =	sadd.s32 $0x88, s3;
	s6 =	simm.s32 @!p1 $0x1082;
	[sflag:s4] =	ssyncset.s32 $0xFFFFF086  }
0x25: {  	[simem:s6], [sflag:s4] =	dma.local [hbm:s3], $0xF7A  }
0x26: {  	[smem:$0x3F96] =	sst s1;
	(tag) =	ssettag s2;
	_ =	strace s9  }
0x27: {  	s1 =	sld [smem:$0x3FA6]  }
0x28: {  	s2 =	sld [smem:$0x3FA7]  }
0x29: {  	s4 =	sld [smem:$0x3FA9]  }
0x2a: {  	p0 =	seq.s32 s5, $0x0;
	s5 =	sld [smem:$0x3FAA]  }
0x2b: {  	s6 =	sld [smem:$0x3FAB]  }
0x2c: {  	s7 =	sld [smem:$0x3FAC]  }
0x2d: {  	s3 =	simm.s32 $0x108;
	s8 =	sld [smem:$0x3FAD]  }
0x2e: {  	s3 =	simm.s32 @!p0 $0x1082;
	s9 =	sld [smem:$0x3FAE]  }
0x2f: {  	lr =	sadd.s32 s0, s3;
	s0 =	sld [smem:$0x3FA5]  }
0x30: {  	s3 =	sld [smem:$0x3FA8]  }
0x31: {  	[smem:$0x3FB1] =	sst s10  }
0x32: {  	s10 =	sld [smem:$0x3FAF];
	_ =	sdelay $0x3  }
0x33: {  	p0 =	seq.s32 s10, $0x1;
	s10 =	sld [smem:$0x3FB1];
	_ =	sdelay $0x3  }
0x34: {  	[smem:$0x3FB1] =	sst s10  }
0x35: {  	s10 =	sld [smem:$0x3FB0];
	_ =	sdelay $0x3  }
0x36: {  	p1 =	seq.s32 s10, $0x1;
	s10 =	sld [smem:$0x3FB1];
	_ =	sdelay $0x3  }
0x37: {  	[smem:$0x3FB1] =	sst s10  }
0x38: {  	s10 =	sld [smem:$0x3FB2]  }
0x39: {  	_ = 	snop;
	(pc) =	sbr.ind lr, $3  }
0x3a: {  	_ = 	snop  }
0x3b: {  	_ = 	snop  }
0x3c: {  	p2 =	seq.s32 s10, $0x1;
	s10 =	sld [smem:$0x3FB1]  }
0x3d: {  	_ =	shalt  }
0x3e: {  	_ =	shalt  }
0x3f: {  	_ =	shalt  }
0x40: {  	_ =	shalt  }
0x41: {  	_ =	shalt  }
0x42: {  	_ =	shalt  }
0x43: {  	_ =	shalt  }
0x44: {  	_ =	shalt  }
0x45: {  	_ =	shalt  }
0x46: {  	_ =	shalt  }
0x47: {  	_ =	shalt  }
0x48: {  	_ =	shalt  }
0x49: {  	_ =	shalt  }
0x4a: {  	_ =	shalt  }
0x4b: {  	_ =	shalt  }
0x4c: {  	_ =	shalt  }
0x4d: {  	_ =	shalt  }
0x4e: {  	_ =	shalt  }
0x4f: {  	_ =	shalt  }
0x50: {  	_ =	shalt  }
0x51: {  	_ =	shalt  }
0x52: {  	_ =	shalt  }
0x53: {  	_ =	shalt  }
0x54: {  	_ =	shalt  }
0x55: {  	_ =	shalt  }
0x56: {  	_ =	shalt  }
0x57: {  	_ =	shalt  }
0x58: {  	_ =	shalt  }
0x59: {  	_ =	shalt  }
0x5a: {  	_ =	shalt  }
0x5b: {  	_ =	shalt  }
0x5c: {  	_ =	shalt  }
0x5d: {  	_ =	shalt  }
0x5e: {  	_ =	shalt  }
0x5f: {  	_ =	shalt  }
0x60: {  	_ =	shalt  }
0x61: {  	_ =	shalt  }
0x62: {  	_ =	shalt  }
0x63: {  	_ =	shalt  }
0x64: {  	_ =	shalt  }
0x65: {  	_ =	shalt  }
0x66: {  	_ =	shalt  }
0x67: {  	_ =	shalt  }
0x68: {  	_ =	shalt  }
0x69: {  	_ =	shalt  }
0x6a: {  	_ =	shalt  }
0x6b: {  	_ =	shalt  }
0x6c: {  	_ =	shalt  }
0x6d: {  	_ =	shalt  }
0x6e: {  	_ =	shalt  }
0x6f: {  	_ =	shalt  }
0x70: {  	_ =	shalt  }
0x71: {  	_ =	shalt  }
0x72: {  	_ =	shalt  }
0x73: {  	_ =	shalt  }
0x74: {  	_ =	shalt  }
0x75: {  	_ =	shalt  }
0x76: {  	_ =	shalt  }
0x77: {  	_ =	shalt  }
0x78: {  	_ =	shalt  }
0x79: {  	_ =	shalt  }
0x7a: {  	_ =	shalt  }
0x7b: {  	_ =	shalt  }
0x7c: {  	_ =	shalt  }
0x7d: {  	_ =	shalt  }
0x7e: {  	_ =	shalt  }
0x7f: {  	_ =	shalt  }
0x80: {  	_ =	shalt  }
0x81: {  	_ =	shalt  }
0x82: {  	_ =	shalt  }
0x83: {  	_ =	shalt  }
0x84: {  	_ =	shalt  }
0x85: {  	_ =	shalt  }
0x86: {  	_ =	shalt  }
0x87: {  	_ =	shalt  }
.Lfunc_end0:
.L_simem_size_0:
called_computation_lowered:
.L_overlay_start_0:
0x88: {  	s2 =	sld [smem:$0x3FD9]  }
0x89: {  	s3 =	sld [smem:$0x3FFE];
	_ =	sdelay $0x1  }
0x8a: {  	s1 =	srdreg.scid  }
0x8b: {  	s0 =	sand.u32 $0x1, s1  }
0x8c: {  	s14 =	sshll.u32 s0, $0xA;
	s2 =	sadd.s32 s3, s2  }
0x8d: {  	s2 =	sadd.s32 s2, s14  }
0x8e: {  	[smem:$0x3FBD] =	sst s2  }
0x8f: {  	_ = 	snop  }
0x90: {  	s2 =	sld [smem:$0x3FD0];
	_ =	sdelay $0x2  }
0x91: {  	s15 =	simm.s32 $0xA;
	s4 =	simm.s32 $0x10  }
0x92: {  	[smem:s4], [sflag:s15] =	dma.local [hbm:s2], $0x1  }
0x93: {  	_ =	swait.eq [sflag:s15], $0x1  }
0x94: {  	[sflag:s15] =	ssyncset.done $0x0  }
0x95: {  	s16 =	sld [smem:$0x10];
	[sflag:s15] =	ssyncadd.s32 $0xFFFFFFFF  }
0x96: {  	s17 =	sld [smem:$0x11];
	(tm) =	ssettm $0x1  }
0x97: {  	s18 =	sld [smem:$0x3FFB];
	_ =	sdelay $0x3  }
0x98: {  	_ =	strace s18  }
0x99: {  	s4 =	sld [smem:$0x3FFC];
	_ =	sdelay $0x3  }
0x9a: {  	_ =	strace s4  }
0x9b: {  	s4 =	sld [smem:$0x3FFD];
	_ =	sdelay $0x3  }
0x9c: {  	_ =	strace s4  }
0x9d: {  	_ =	strace $0x8FFFFFFF  }
0x9e: {  	s19 =	sld [smem:$0x3FDB];
	_ =	sdelay $0x1  }
0x9f: {  	s5 =	simm.s32 $_scs_section_size  }
0xa0: {  	s6 =	simm.s32 $_size__tile_overlayer_lowered;
	s7 =	simm.s32 $_tile_overlayer_lowered  }
0xa1: {  	s22 =	simm.s32 $0x1BFF;
	s21 =	sshll.u32 s7, $0x1;
	s4 =	sadd.s32 s5, s19  }
0xa2: {  	s8 =	simm.s32 $0x0;
	s20 =	sshll.u32 s6, $0x1;
	s6 =	sadd.s32 s21, s4  }
0xa3: {  	[timem:s8], [sflag:s22] =	dma.local [hbm:s6], s20  }
0xa4: {  	_ =	swait.ge [sflag:s22], s20  }
0xa5: {  	s5 =	ssub.s32 $0x0, s20;
	[sflag:s22] =	ssyncset.done $0x0  }
0xa6: {  	[sflag:s22] =	ssyncadd.s32 s5;
	_ =	sdelay $0x1  }
0xa7: {  	s23 =	simm.s32 $0x1B8B  }
0xa8: {  	_ =	swait.ge [sflag:s23], $0x1  }
0xa9: {  	[sflag:s23] =	ssyncset.done $0x0  }
0xaa: {  	s25 =	simm.s32 $0x1B8E;
	s24 =	sld [smem:$0x3FFE];
	[sflag:s23] =	ssyncadd.s32 $0xFFFFFFFF  }
0xab: {  	s26 =	simm.s32 $execute0_lowered;
	[smem:$0x3FD2] =	sst s25  }
0xac: {  	s6 =	sshll.u32 s26, $0x1;
	_ =	strace $0x80000046;
	[dreg:$0x1] =	wrdreg $0xFFFFFFFF  }
0xad: {  	s28 =	simm.s32 $_size_execute0_lowered;
	s4 =	sadd.s32 s4, s6;
	[dreg:$0x0] =	wrdreg $0x0  }
0xae: {  	s6 =	sshll.u32 s28, $0x1;
	[dreg:$0x2] =	wrdreg s4  }
0xaf: {  	[dreg:$0x3] =	wrdreg s6  }
0xb0: {  	[dreg:$0x4] =	wrdreg $0xC0  }
0xb1: {  	_ =	task [dreg:s8], $0x5FFFF  }
0xb2: {  	[dreg:$0x1] =	wrdreg $0xFFFFFFFF  }
0xb3: {  	[dreg:$0x0] =	wrdreg $0x60  }
0xb4: {  	[dreg:$0x2] =	wrdreg s16  }
0xb5: {  	[dreg:$0x3] =	wrdreg s17  }
0xb6: {  	[dreg:$0x4] =	wrdreg s24  }
0xb7: {  	[dreg:$0x5] =	wrdreg $0x9  }
0xb8: {  	_ =	task.clear_ibuf [dreg:s8], $0x6FFFF;
	_ =	strace $0x90000046  }
0xb9: {  	s29 =	simm.s32 $0x9;
	_ =	strace $0x80000048  }
0xba: {  	_ =	swait.ge [sflag:s29], $0x1  }
0xbb: {  	[sflag:s29] =	ssyncadd.s32 $0xFFFFFFFF  }
0xbc: {  	_ =	strace $0x90000048  }
0xbd: {  	_ =	sfence  }
0xbe: {  	s30 =	sld [smem:$0x0];
	_ =	sdelay $0x2  }
0xbf: {  	s31 =	sshll.u32 s1, $0xD;
	s1 =	sshrl.u32 s1, $0x2  }
0xc0: {  	s3 =	sand.u32 $0x4000, s31;
	s1 =	sadd.s32 s1, s30  }
0xc1: {  	s0 =	sor.u32 s3, s0;
	s1 =	sshll.u32 s1, $0x11  }
0xc2: {  	s0 =	sor.u32 s1, s0  }
0xc3: {  	s0 =	sadd.s32 $0x8F2B, s0  }
0xc4: {  	[sflag:s0] =	ssyncadd.remote.s32 $0x1  }
0xc5: {  	_ =	sfence.sel $0xFFFF  }
0xc6: {  	[dreg:$0x0] =	wrdreg $0xFFFFFFFF;
	(pc) =	sbr.abs _section_cstart, $3  }
0xc7: {  	[dreg:$0x1] =	wrdreg $0xFFFFFFFF  }
0xc8: {  	_ =	task.clear_ibuf [dreg:s8], $0x2FFFF;
	_ =	strace $0x9FFFFFFF  }
0xc9: {  	(tm) =	ssettm $0x7FFFFFFF  }
tec
execute0_lowered:
.L_overlay_start_1:
0x0: {  	(tag) =	ssettag $0x1  }
0x1: {  	s0 =	srdreg.scid;
	s1 =	rddreg [dreg:$0x0]  }
0x2: {  	s3 =	rddreg [dreg:$0x1];
	s10 =	stileid.u32  }
0x3: {  	s5 =	rddreg [dreg:$0x2];
	s4 =	simm.s32 $0x0;
	s15 =	simm.s32 $0x68  }
0x4: {  	s16 =	simm.s32 $0x2800;
	s17 =	simm.s32 $0x5C00;
	s18 =	simm.s32 $0x9000  }
0x5: {  	s20 =	simm.s32 $0xC400;
	s22 =	simm.s32 $0xF800;
	s29 =	simm.s32 $0x19400  }
0x6: {  	s30 =	simm.s32 $0x2;
	s31 =	simm.s32 $0x3;
	s19 =	simm.s32 $0x6  }
0x7: {  	s21 =	simm.s32 $0x7;
	s28 =	simm.s32 $0xA;
	s11 =	simm.s32 $0x0  }
0x8: {  	s0 =	sand.u32 $0x1, s0;
	[smem:$0x7FF] =	sst s4;
	s7 =	sadd.s32 $0xCE00, s5  }
0x9: {  	s2 =	sshll.u32 s0, $0x4;
	s8 =	ssub.s32 $0x2, s0;
	s0 =	smul.u32 $0x138800, s0  }
0xa: {  	s2 =	sor.u32 s10, s2;
	s9 =	sshrl.u32 s8, $0x1;
	s10 =	smul.u32 $0x13880, s10  }
0xb: {  	_ =	strace $0x80000047;
	s6 =	smul.u32 $0x1388, s2;
	s8 =	ssub.s32 s8, s9  }
0xc: {  	s2 =	smul.u32 $0x9C400, s2;
	s26 =	sadd.s32 s0, s7;
	s25 =	smax.u32 s8, $0x1  }
0xd: {  	[dreg:$0x9] =	wrdreg s26;
	s26 =	simm.s32 $0x16000;
	s6 =	sshrl.u32 s6, $0x3  }
0xe: {  	s2 =	sshrl.u32 s2, $0x3;
	[dreg:$0x8] =	wrdreg s25;
	s6 =	sadd.s32 s6, s5  }
0xf: {  	s25 =	simm.s32 $0x9;
	s5 =	sadd.s32 $0x27DE00, s5;
	s23 =	sadd.s32 $0x7E00, s6  }
0x10: {  	s2 =	sadd.s32 $0x13800, s2;
	s6 =	sadd.s32 $0x2E00, s6;
	[dreg:$0x4] =	wrdreg s23  }
.Ltmp0:
0x11: {  	s24 =	sadd.s32 s7, s2;
	[dreg:$0x5] =	wrdreg s6;
	(pc) =	sbr.rel .LBB2_1-.Ltmp0, $4  }
0x12: {  	s2 =	sadd.s32 s5, s2;
	s0 =	sadd.s32 s0, s5;
	[dreg:$0x6] =	wrdreg s24  }
0x13: {  	s5 =	simm.s32 $0xB;
	s7 =	simm.s32 $0xD;
	[dreg:$0x7] =	wrdreg s2  }
0x14: {  	[dreg:$0xa] =	wrdreg s0;
	s24 =	simm.s32 $0x12C00;
	s2 =	simm.s32 $0x4  }
0x15: {  	s0 =	simm.s32 $0x5;
	s23 =	simm.s32 $0x8;
	s6 =	simm.s32 $0xC  }
.LBB2_4:
0x16: {  	_ =	swait.ge [sflag:s5], $0x3400  }
0x17: {  	[sflag:s5] =	ssyncset.done $0x0  }
0x18: {  	[sflag:s5] =	ssyncadd.s32 $0xFFFFCC00  }
0x19: {  	_ =	swait.ge [sflag:s5], $0x3400  }
0x1a: {  	[sflag:s5] =	ssyncset.done $0x0  }
0x1b: {  	[sflag:s5] =	ssyncadd.s32 $0xFFFFCC00  }
0x1c: {  	_ =	swait.ge [sflag:s6], $0x3400  }
0x1d: {  	[sflag:s6] =	ssyncset.done $0x0  }
0x1e: {  	[sflag:s6] =	ssyncadd.s32 $0xFFFFCC00  }
0x1f: {  	_ =	swait.ge [sflag:s6], $0x3400  }
0x20: {  	[sflag:s6] =	ssyncset.done $0x0  }
0x21: {  	[sflag:s6] =	ssyncadd.s32 $0xFFFFCC00  }
0x22: {  	_ =	swait.ge [sflag:s7], $0x3400  }
0x23: {  	[sflag:s7] =	ssyncset.done $0x0  }
0x24: {  	[sflag:s7] =	ssyncadd.s32 $0xFFFFCC00  }
0x25: {  	_ =	swait.ge [sflag:s7], $0x3400  }
0x26: {  	[sflag:s7] =	ssyncset.done $0x0  }
0x27: {  	s8 =	simm.s32 $0x1380;
	s9 =	simm.s32 $0x1C800;
	[sflag:s7] =	ssyncadd.s32 $0xFFFFCC00  }
0x28: {  	[tilespmem:s9], [sflag:$0x2] =	stream.indirect.gather [hbm4b:s1+s23], $0x80, s8, s23, $0xb8;
	[tilespmem:$0x1D000] =	vst v63  }
0x29: {  	s13 =	simm.s32 $0x2780;
	s11 =	simm.s32 $0x1CC00  }
0x2a: {  	[tilespmem:s11], [sflag:$0x3] =	stream.indirect.gather [hbm4b:s3+s23], $0x80, s13, s23, $0xb8;
	[tilespmem:$0x1D000] =	vst v63  }
0x2b: {  	_ =	swait.ge [sflag:s30], $0x400  }
0x2c: {  	[sflag:s30] =	ssyncset.done $0x0  }
0x2d: {  	[sflag:s30] =	ssyncadd.s32 $0xFFFFFC00  }
0x2e: {  	_ =	swait.ge [sflag:s31], $0x400  }
0x2f: {  	[sflag:s31] =	ssyncset.done $0x0  }
0x30: {  	s14 =	rddreg [dreg:$0x6];
	[sflag:s31] =	ssyncadd.s32 $0xFFFFFC00  }
0x31: {  	[hbm4b:s14+s4] =	stream.linear.scatter [tilespmem:s9], [sflag:$0xE], $0x400, $0x38;
	[tilespmem:$0x1D000] =	vst v63  }
0x32: {  	s9 =	simm.s32 $0xE  }
0x33: {  	_ =	swait.ge [sflag:s9], $0x400  }
0x34: {  	[sflag:s9] =	ssyncset.done $0x0  }
0x35: {  	s12 =	rddreg [dreg:$0x7];
	[sflag:s9] =	ssyncadd.s32 $0xFFFFFC00  }
0x36: {  	[hbm4b:s12+s4] =	stream.linear.scatter [tilespmem:s11], [sflag:$0xE], $0x400, $0x38;
	[tilespmem:$0x1D000] =	vst v63  }
0x37: {  	_ =	swait.ge [sflag:s9], $0x400  }
0x38: {  	s13 =	rddreg [dreg:$0xb]  }
0x39: {  	s14 =	rddreg [dreg:$0x8];
	s11 =	sadd.s32 $0x1, s13  }
0x3a: {  	p0 =	sne.s32 s11, s14  }
.Ltmp1:
0x3b: {  	_ = 	snop;
	(pc) =	sbr.rel @!p0 .LBB2_5-.Ltmp1, $3  }
0x3c: {  	_ =	sdelay $0x1  }
0x3d: {  	[sflag:s9] =	ssyncset.done $0x0  }
0x3e: {  	[sflag:s9] =	ssyncadd.s32 $0xFFFFFC00  }
.LBB2_1:
0x3f: {  	[dreg:$0xb] =	wrdreg s11  }
0x40: {  	s8 =	rddreg [dreg:$0x4]  }
0x41: {  	[tilespmem:s4], [sflag:$0x1] =	stream.linear.gather [hbm4b:s8+s4], $0x1388, $0x38;
	[tilespmem:$0x1D000] =	vst v63  }
0x42: {  	s13 =	rddreg [dreg:$0x5];
	s9 =	simm.s32 $0x1400;
	s14 =	simm.s32 $0x1  }
0x43: {  	[tilespmem:s9], [sflag:$0x1] =	stream.linear.gather [hbm4b:s13+s4], $0x1388, $0x38;
	[tilespmem:$0x1D000] =	vst v63  }
0x44: {  	_ =	swait.ge [sflag:s14], $0x1388  }
0x45: {  	[sflag:s14] =	ssyncset.done $0x0  }
0x46: {  	[sflag:s14] =	ssyncadd.s32 $0xFFFFEC78  }
0x47: {  	_ =	swait.ge [sflag:s14], $0x1388  }
0x48: {  	[sflag:s14] =	ssyncset.done $0x0  }
0x49: {  	[sflag:s14] =	ssyncadd.s32 $0xFFFFEC78  }
0x4a: {  	[tilespmem:s16], [sflag:$0x2] =	stream.indirect.gather [hbm4b:s1+s15], $0x80, s4, s15, $0xb8;
	[tilespmem:$0x1D000] =	vst v63  }
0x4b: {  	_ = 	snop  }
0x4c: {  	[tilespmem:s17], [sflag:$0x3] =	stream.indirect.gather [hbm4b:s3+s15], $0x80, s9, s15, $0xb8;
	[tilespmem:$0x1D000] =	vst v63  }
0x4d: {  	_ = 	snop  }
0x4e: {  	[tilespmem:s18], [sflag:$0x4] =	stream.indirect.gather [hbm4b:s1+s15], $0x80, s15, s15, $0xb8;
	[tilespmem:$0x1D000] =	vst v63  }
0x4f: {  	s9 =	simm.s32 $0x1468  }
0x50: {  	[tilespmem:s20], [sflag:$0x5] =	stream.indirect.gather [hbm4b:s3+s15], $0x80, s9, s15, $0xb8;
	[tilespmem:$0x1D000] =	vst v63  }
0x51: {  	s11 =	simm.s32 $0xD0  }
0x52: {  	[tilespmem:s22], [sflag:$0x6] =	stream.indirect.gather [hbm4b:s1+s15], $0x80, s11, s15, $0xb8;
	[tilespmem:$0x1D000] =	vst v63  }
0x53: {  	s12 =	simm.s32 $0x14D0  }
0x54: {  	[tilespmem:s24], [sflag:$0x7] =	stream.indirect.gather [hbm4b:s3+s15], $0x80, s12, s15, $0xb8;
	[tilespmem:$0x1D000] =	vst v63  }
0x55: {  	s13 =	simm.s32 $0x138;
	s8 =	rddreg [dreg:$0x9]  }
0x56: {  	[tilespmem:s26], [sflag:$0x8] =	stream.indirect.gather [hbm4b:s1+s15], $0x80, s13, s15, $0xb8;
	[tilespmem:$0x1D000] =	vst v63  }
0x57: {  	s14 =	simm.s32 $0x1538;
	s9 =	simm.s32 $0x0;
	s12 =	rddreg [dreg:$0xa]  }
0x58: {  	[tilespmem:s29], [sflag:$0x9] =	stream.indirect.gather [hbm4b:s3+s15], $0x80, s14, s15, $0xb8;
	[tilespmem:$0x1D000] =	vst v63  }
.LBB2_2:
0x59: {  	_ =	swait.ge [sflag:s30], $0x3400  }
0x5a: {  	[sflag:s30] =	ssyncset.done $0x0  }
0x5b: {  	[sflag:s30] =	ssyncadd.s32 $0xFFFFCC00  }
0x5c: {  	_ =	swait.ge [sflag:s31], $0x3400  }
0x5d: {  	[sflag:s31] =	ssyncset.done $0x0  }
0x5e: {  	s14 =	sadd.s32 s8, s10;
	[sflag:s31] =	ssyncadd.s32 $0xFFFFCC00  }
0x5f: {  	[hbm4b:s14+s4] =	stream.linear.scatter [tilespmem:s16], [sflag:$0xA], $0x3400, $0x38;
	[tilespmem:$0x1D000] =	vst v63  }
0x60: {  	s13 =	sadd.s32 s12, s10  }
0x61: {  	[hbm4b:s13+s4] =	stream.linear.scatter [tilespmem:s17], [sflag:$0xA], $0x3400, $0x38;
	[tilespmem:$0x1D000] =	vst v63  }
0x62: {  	_ =	swait.ge [sflag:s2], $0x3400  }
0x63: {  	[sflag:s2] =	ssyncset.done $0x0  }
0x64: {  	[sflag:s2] =	ssyncadd.s32 $0xFFFFCC00  }
0x65: {  	_ =	swait.ge [sflag:s0], $0x3400  }
0x66: {  	[sflag:s0] =	ssyncset.done $0x0  }
0x67: {  	s11 =	sadd.s32 $0x680, s14;
	[sflag:s0] =	ssyncadd.s32 $0xFFFFCC00  }
0x68: {  	[hbm4b:s11+s4] =	stream.linear.scatter [tilespmem:s18], [sflag:$0xB], $0x3400, $0x38;
	[tilespmem:$0x1D000] =	vst v63  }
0x69: {  	s11 =	sadd.s32 $0x680, s13  }
0x6a: {  	[hbm4b:s11+s4] =	stream.linear.scatter [tilespmem:s20], [sflag:$0xB], $0x3400, $0x38;
	[tilespmem:$0x1D000] =	vst v63  }
0x6b: {  	_ =	swait.ge [sflag:s19], $0x3400  }
0x6c: {  	[sflag:s19] =	ssyncset.done $0x0  }
0x6d: {  	[sflag:s19] =	ssyncadd.s32 $0xFFFFCC00  }
0x6e: {  	_ =	swait.ge [sflag:s21], $0x3400  }
0x6f: {  	[sflag:s21] =	ssyncset.done $0x0  }
0x70: {  	s11 =	sadd.s32 $0xD00, s14;
	[sflag:s21] =	ssyncadd.s32 $0xFFFFCC00  }
0x71: {  	[hbm4b:s11+s4] =	stream.linear.scatter [tilespmem:s22], [sflag:$0xC], $0x3400, $0x38;
	[tilespmem:$0x1D000] =	vst v63  }
0x72: {  	s11 =	sadd.s32 $0xD00, s13  }
0x73: {  	[hbm4b:s11+s4] =	stream.linear.scatter [tilespmem:s24], [sflag:$0xC], $0x3400, $0x38;
	[tilespmem:$0x1D000] =	vst v63  }
0x74: {  	_ =	swait.ge [sflag:s23], $0x3400  }
0x75: {  	[sflag:s23] =	ssyncset.done $0x0  }
0x76: {  	[sflag:s23] =	ssyncadd.s32 $0xFFFFCC00  }
0x77: {  	_ =	swait.ge [sflag:s25], $0x3400  }
0x78: {  	[sflag:s25] =	ssyncset.done $0x0  }
0x79: {  	s14 =	sadd.s32 $0x1380, s14;
	[sflag:s25] =	ssyncadd.s32 $0xFFFFCC00  }
0x7a: {  	[hbm4b:s14+s4] =	stream.linear.scatter [tilespmem:s26], [sflag:$0xD], $0x3400, $0x38;
	[tilespmem:$0x1D000] =	vst v63  }
0x7b: {  	s14 =	sadd.s32 $0x1380, s13  }
0x7c: {  	[hbm4b:s14+s4] =	stream.linear.scatter [tilespmem:s29], [sflag:$0xD], $0x3400, $0x38;
	[tilespmem:$0x1D000] =	vst v63  }
0x7d: {  	p0 =	seq.s32 s9, $0x4780;
	_ =	swait.ge [sflag:s28], $0x3400  }
.Ltmp2:
0x7e: {  	[sflag:s28] =	ssyncset.done $0x0;
	(pc) =	sbr.rel @p0 .LBB2_4-.Ltmp2, $4  }
0x7f: {  	[sflag:s28] =	ssyncadd.s32 $0xFFFFCC00  }
0x80: {  	_ =	swait.ge [sflag:s28], $0x3400  }
0x81: {  	[sflag:s28] =	ssyncset.done $0x0  }
0x82: {  	[sflag:s28] =	ssyncadd.s32 $0xFFFFCC00  }
0x83: {  	s11 =	sshra.s32 s9, $0x2  }
0x84: {  	s13 =	sadd.s32 $0x1A0, s11  }
0x85: {  	[tilespmem:s16], [sflag:$0x2] =	stream.indirect.gather [hbm4b:s1+s15], $0x80, s13, s15, $0xb8;
	[tilespmem:$0x1D000] =	vst v63  }
0x86: {  	s14 =	sadd.s32 $0x15A0, s11  }
0x87: {  	[tilespmem:s17], [sflag:$0x3] =	stream.indirect.gather [hbm4b:s3+s15], $0x80, s14, s15, $0xb8;
	[tilespmem:$0x1D000] =	vst v63  }
0x88: {  	_ =	swait.ge [sflag:s5], $0x3400  }
0x89: {  	[sflag:s5] =	ssyncset.done $0x0  }
0x8a: {  	[sflag:s5] =	ssyncadd.s32 $0xFFFFCC00  }
0x8b: {  	_ =	swait.ge [sflag:s5], $0x3400  }
0x8c: {  	[sflag:s5] =	ssyncset.done $0x0  }
0x8d: {  	s14 =	sadd.s32 $0x208, s11;
	[sflag:s5] =	ssyncadd.s32 $0xFFFFCC00  }
0x8e: {  	[tilespmem:s18], [sflag:$0x4] =	stream.indirect.gather [hbm4b:s1+s15], $0x80, s14, s15, $0xb8;
	[tilespmem:$0x1D000] =	vst v63  }
0x8f: {  	s14 =	sadd.s32 $0x1608, s11  }
0x90: {  	[tilespmem:s20], [sflag:$0x5] =	stream.indirect.gather [hbm4b:s3+s15], $0x80, s14, s15, $0xb8;
	[tilespmem:$0x1D000] =	vst v63  }
0x91: {  	_ =	swait.ge [sflag:s6], $0x3400  }
0x92: {  	[sflag:s6] =	ssyncset.done $0x0  }
0x93: {  	[sflag:s6] =	ssyncadd.s32 $0xFFFFCC00  }
0x94: {  	_ =	swait.ge [sflag:s6], $0x3400  }
0x95: {  	[sflag:s6] =	ssyncset.done $0x0  }
0x96: {  	s14 =	sadd.s32 $0x270, s11;
	[sflag:s6] =	ssyncadd.s32 $0xFFFFCC00  }
0x97: {  	[tilespmem:s22], [sflag:$0x6] =	stream.indirect.gather [hbm4b:s1+s15], $0x80, s14, s15, $0xb8;
	[tilespmem:$0x1D000] =	vst v63  }
0x98: {  	s14 =	sadd.s32 $0x1670, s11  }
0x99: {  	[tilespmem:s24], [sflag:$0x7] =	stream.indirect.gather [hbm4b:s3+s15], $0x80, s14, s15, $0xb8;
	[tilespmem:$0x1D000] =	vst v63  }
0x9a: {  	_ =	swait.ge [sflag:s7], $0x3400  }
0x9b: {  	[sflag:s7] =	ssyncset.done $0x0  }
0x9c: {  	[sflag:s7] =	ssyncadd.s32 $0xFFFFCC00  }
0x9d: {  	_ =	swait.ge [sflag:s7], $0x3400  }
.Ltmp3:
0x9e: {  	[sflag:s7] =	ssyncset.done $0x0;
	(pc) =	sbr.rel .LBB2_2-.Ltmp3, $4  }
0x9f: {  	s9 =	sadd.s32 $0x680, s9;
	s14 =	sadd.s32 $0x2D8, s11;
	[sflag:s7] =	ssyncadd.s32 $0xFFFFCC00  }
0xa0: {  	[tilespmem:s26], [sflag:$0x8] =	stream.indirect.gather [hbm4b:s1+s15], $0x80, s14, s15, $0xb8;
	[tilespmem:$0x1D000] =	vst v63  }
0xa1: {  	s8 =	sadd.s32 $0x1A00, s8;
	s12 =	sadd.s32 $0x1A00, s12;
	s11 =	sadd.s32 $0x16D8, s11  }
0xa2: {  	[tilespmem:s29], [sflag:$0x9] =	stream.indirect.gather [hbm4b:s3+s15], $0x80, s11, s15, $0xb8;
	[tilespmem:$0x1D000] =	vst v63  }
.LBB2_5:
0xa3: {  	_ =	sfence.sel $0x180000  }
0xa4: {  	[bflag:$0x0] =	sbarrier.arrive $0xFFFF  }
0xa5: {  	_ =	strace $0x90000047  }
0xa6: {  	s0 =	stileid.u32;
	[bflag:$0x2] =	sbarrier.arrive $0xFFFF  }
0xa7: {  	p0 =	sne.s32 s0, $0x0;
	s0 =	rddreg [dreg:$0x3]  }
0xa8: {  	s0 =	sadd.s32 @!p0 $0x100000, s0  }
0xa9: {  	[sflag:s0] =	ssyncadd.tile.s32 @!p0 $0x1;
	_ =	shalt  }
.Lfunc_end2:
_tile_overlayer_lowered:
.L_overlay_start_2:
0xaa: {  	(tag) =	ssettag $0x2  }
0xab: {  	s0 =	rddreg [dreg:$0x0];
	s2 =	stileid.u32  }
0xac: {  	s1 =	rddreg [dreg:$0x1];
	p0 =	sne.s32 s2, $0x0  }
0xad: {  	s3 =	rddreg [dreg:$0x2];
	[bflag:$0x3] =	sbarrier.arrive $0xFFFF;
	s2 =	simm.s32 @!p0 $0x1C0E  }
0xae: {  	[timem:s3], [sflag:s2] =	dma.local @!p0 [hbm:s0], s1  }
0xaf: {  	s0 =	simm.s32 @!p0 $0xE  }
0xb0: {  	_ =	swait.ge @!p0 [sflag:s0], s1  }
0xb1: {  	s1 =	ssub.s32 @!p0 $0x0, s1;
	[sflag:s0] =	ssyncset.done @!p0 $0x0  }
0xb2: {  	[sflag:s0] =	ssyncadd.s32 @!p0 s1  }
0xb3: {  	[bflag:$0x3] =	sbarrier.arrive $0xFFFF  }
0xb4: {  	_ =	shalt  }

</sc_bundles>
